<compile_context>
chip_gen: v7x
topology: tpu7x:2x2x1
jax: 0.10.2.dev20260603
libtpu: 0.0.44.dev20260713+nightly
codegen_flags: <defaults>
</compile_context>

<pallas_src>
import functools

import jax
import jax.numpy as jnp
from jax import lax
from jax.experimental import pallas as pl
from jax.experimental.pallas import tpu as pltpu
from jax.experimental.pallas import tpu_sc as plsc

_C = 1.0
_VOCAB = 1000000
_DIM = 64
_BATCH = 4096
_SEQ = 50

_NC = 2
_NS = 16
_NW = _NC * _NS

_TOKENS = _BATCH * _SEQ
_PER_W = _TOKENS // _NW
_CHUNK = 128
_NCHUNK = _PER_W // _CHUNK
_NSLOT = 5

_RB = 16384
_DGRID = (_VOCAB + 2 * _RB - 1) // (2 * _RB)
_VROWS = _DGRID * _RB


def _detile_body(x_ref, out_ref):
  x = x_ref[...]
  x12 = jnp.concatenate([x[:, :_RB], x[:, _RB:]], axis=0)
  out_ref[...] = jnp.transpose(x12)


def _tc_detile(embT):
  return pl.pallas_call(
      _detile_body,
      grid=(_DGRID,),
      in_specs=[pl.BlockSpec((_DIM, 2 * _RB), lambda i: (0, i))],
      out_specs=pl.BlockSpec((_RB, 2 * _DIM), lambda i: (i, 0)),
      out_shape=jax.ShapeDtypeStruct((_VROWS, 2 * _DIM), jnp.float32),
  )(embT)


def _sc_gather(idx3, table):
  mesh = plsc.VectorSubcoreMesh(
      core_axis_name="c", subcore_axis_name="s",
      num_cores=_NC, num_subcores=_NS)

  @functools.partial(
      pl.kernel,
      mesh=mesh,
      compiler_params=pltpu.CompilerParams(use_tc_tiling_on_sc=False),
      out_type=jax.ShapeDtypeStruct((_TOKENS, _DIM), jnp.float32),
      scratch_types=[
          pltpu.VMEM((_NCHUNK, _CHUNK), jnp.int32),
          pltpu.VMEM((_NSLOT, _CHUNK, _DIM), jnp.float32),
          pltpu.SemaphoreType.DMA((_NSLOT,)),
          pltpu.SemaphoreType.DMA((_NSLOT,)),
      ],
  )
  def k(idx_hbm, table_hbm, out_hbm, idx_v, rows_v, gsem, wsem):
    wid = lax.axis_index("s") * _NC + lax.axis_index("c")
    base = wid * _PER_W
    pltpu.sync_copy(idx_hbm.at[wid], idx_v)

    def gather(j, s):
      pltpu.make_async_copy(
          table_hbm.at[idx_v.at[j]], rows_v.at[s], gsem.at[s]).start()

    def writeback(j, s):
      return pltpu.make_async_copy(
          rows_v.at[s], out_hbm.at[pl.ds(base + j * _CHUNK, _CHUNK)],
          wsem.at[s])

    for s in range(_NSLOT):
      gather(s, s)

    def body(jj, _):
      for s in range(_NSLOT):
        j = jj * _NSLOT + s
        pltpu.make_async_copy(
            table_hbm.at[idx_v.at[j]], rows_v.at[s], gsem.at[s]).wait()
        writeback(j, s).start()

        @pl.when(jj < _NCHUNK // _NSLOT - 1)
        def _():
          writeback(j, s).wait()
          gather(j + _NSLOT, s)

      return 0

    lax.fori_loop(0, _NCHUNK // _NSLOT, body, 0)

    for s in range(_NSLOT):
      writeback(_NCHUNK - _NSLOT + s, s).wait()

  return k(idx3, table)


_HB = _BATCH // 2


def _tc_body(x_ref, pe_ref, w_ref, b_ref, sc_ref, out_ref):
  x = x_ref[...]
  xt = jnp.transpose(x)
  pe = jnp.reshape(pe_ref[...], (_DIM, 1))
  pe2 = jnp.concatenate([pe, pe], axis=0)
  y = xt + pe2
  sq = y * y
  cs_e = jnp.sum(sq[0:_DIM, :], axis=0, keepdims=True)
  cs_o = jnp.sum(sq[_DIM:, :], axis=0, keepdims=True)
  y0e = y[0:1, :]
  y0o = y[_DIM:_DIM + 1, :]
  inv_e = lax.rsqrt(jnp.maximum(2.0 * y0e * y0e - cs_e, 1e-7))
  inv_o = lax.rsqrt(jnp.maximum(2.0 * y0o * y0o - cs_o, 1e-7))
  inv2 = jnp.concatenate([jnp.broadcast_to(inv_e, (_DIM, _HB)),
                          jnp.broadcast_to(inv_o, (_DIM, _HB))], axis=0)
  yn = y * inv2
  h = lax.dot_general(w_ref[...], yn, (((1,), (0,)), ((), ())),
                      preferred_element_type=jnp.float32) + b_ref[...]
  esc = sc_ref[0, 0]
  t_e = jax.nn.sigmoid(h[0:1, :]) * esc + 1.1
  t_o = jax.nn.sigmoid(h[_DIM:_DIM + 1, :]) * esc + 1.1
  ssq_e = (jnp.sum(h[0:_DIM, :] * h[0:_DIM, :], axis=0, keepdims=True)
           - h[0:1, :] * h[0:1, :])
  ssq_o = (jnp.sum(h[_DIM:, :] * h[_DIM:, :], axis=0, keepdims=True)
           - h[_DIM:_DIM + 1, :] * h[_DIM:_DIM + 1, :])
  s_e = (t_e * t_e - 1.0 / _C) / jnp.maximum(ssq_e, 1e-8)
  s_o = (t_o * t_o - 1.0 / _C) / jnp.maximum(ssq_o, 1e-8)
  rowid = lax.broadcasted_iota(jnp.int32, (_DIM, _HB), 0)
  out_e = jnp.where(rowid == 0, t_e, h[0:_DIM, :] * jnp.sqrt(s_e))
  out_o = jnp.where(rowid == 0, t_o, h[_DIM:, :] * jnp.sqrt(s_o))
  outv = jnp.concatenate([out_e[0:63, :], out_o[0:63, :]], axis=1)
  out_ref[...] = jnp.reshape(outv, (1, 63, _BATCH))


def _tc_transform(gathered2, pe_t, w_blk, b_blk, scalars, interpret=False):
  return pl.pallas_call(
      _tc_body,
      grid=(_SEQ,),
      in_specs=[
          pl.BlockSpec((_HB, 2 * _DIM), lambda i: (i, 0)),
          pl.BlockSpec((1, _DIM, 1), lambda i: (i, 0, 0)),
          pl.BlockSpec((2 * _DIM, 2 * _DIM), lambda i: (0, 0)),
          pl.BlockSpec((2 * _DIM, 1), lambda i: (0, 0)),
          pl.BlockSpec((1, 1), lambda i: (0, 0)),
      ],
      out_specs=pl.BlockSpec((1, 63, _BATCH), lambda i: (i, 0, 0)),
      out_shape=jax.ShapeDtypeStruct((_SEQ, 63, _BATCH), jnp.float32),
      interpret=interpret,
  )(gathered2, pe_t, w_blk, b_blk, scalars)


def kernel(source, embedding, pos_enc, add_scale, W, b, point_scale):
  sperm = jnp.stack([jnp.arange(_HB, dtype=jnp.int32),
                     _HB + jnp.arange(_HB, dtype=jnp.int32)], axis=1).reshape(-1)
  idx = jnp.transpose(source)[:, sperm].reshape(-1).astype(jnp.int32)
  g = idx // (2 * _RB)
  k = idx % (2 * _RB)
  q = 2 * (g * _RB + k % _RB) + k // _RB
  idx3 = q.reshape(_NW, _NCHUNK, _CHUNK)

  table = _tc_detile(jnp.transpose(embedding)).reshape(2 * _VROWS, _DIM)
  gathered = _sc_gather(idx3, table)
  gathered2 = gathered.reshape(_TOKENS // 2, 2 * _DIM)

  pe_t = (add_scale * pos_enc[:_SEQ, 0, :]).astype(jnp.float32)[:, :, None]
  w_pad = jnp.zeros((_DIM, _DIM), jnp.float32).at[:63, :].set(W)
  w_blk = jnp.zeros((2 * _DIM, 2 * _DIM), jnp.float32)
  w_blk = w_blk.at[:_DIM, :_DIM].set(w_pad).at[_DIM:, _DIM:].set(w_pad)
  b_col = jnp.zeros((_DIM, 1), jnp.float32).at[:63, 0].set(b)
  b_blk = jnp.concatenate([b_col, b_col], axis=0)
  scalars = jnp.exp(point_scale).reshape(1, 1)

  out = _tc_transform(gathered2, pe_t, w_blk, b_blk, scalars)
  return jnp.transpose(out, (2, 0, 1))

# --- scband reference (transcript-rebuilt; emitter-appended) ---
"""Pipeline reference for scband-lorentz-embeddings-56788057588121 (READ-ONLY COPY).

The authoritative reference and input builder live on the scoring server;
editing this copy changes nothing except your own understanding.
"""

import jax, jax.numpy as jnp
import numpy as np
import math

C = 1.0
VOCAB = 1000000
DIM = 64
MAX_LEN = 5000
BATCH = 4096
SEQ = 50


def _lorentz_inner(x, y):
    return -x[..., :1] * y[..., :1] + jnp.sum(x[..., 1:] * y[..., 1:], axis=-1, keepdims=True)


def _to_hyperboloid(space):
    # lift spatial components onto the Lorentz hyperboloid <x,x>_L = -1/C
    time = jnp.sqrt(1.0 / C + jnp.sum(space * space, axis=-1, keepdims=True))
    return jnp.concatenate([time, space], axis=-1)


def setup_inputs(seed: int = 0):
    key = jax.random.key(seed)
    k1, k2, k3, k4, k5 = jax.random.split(key, 5)
    source = jax.random.randint(k1, (BATCH, SEQ), 0, VOCAB)
    # ManifoldParameter embedding table: random normal spatial part, lifted to hyperboloid
    emb_space = jax.random.normal(k2, (VOCAB, DIM - 1), dtype=jnp.float32)
    embedding = _to_hyperboloid(emb_space)
    # positional encoding: manifold random normal with std sqrt(0.02)
    pe_space = jax.random.normal(k3, (MAX_LEN, 1, DIM - 1), dtype=jnp.float32) * math.sqrt(0.02)
    pos_enc = _to_hyperboloid(pe_space)
    # LResNet learnable scale (use_scale=True)
    add_scale = jnp.ones((), dtype=jnp.float32)
    # LorentzLinear point: Linear(DIM, DIM-1) + learnable log-scale (init log(10))
    W = jax.random.normal(k4, (DIM - 1, DIM), dtype=jnp.float32) * (1.0 / math.sqrt(DIM))
    b = jnp.zeros((DIM - 1,), dtype=jnp.float32)
    point_scale = jnp.asarray(math.log(10.0), dtype=jnp.float32)
    return {"source": source, "embedding": embedding, "pos_enc": pos_enc, "add_scale": add_scale, "W": W, "b": b, "point_scale": point_scale}


def reference(source, embedding, pos_enc, add_scale, W, b, point_scale):
    # forward(source, use_feats=False, batch_first=True, step=None), posit_embed=True
    src = source.T  # permute(1, 0) -> [S, B]
    emb = jnp.take(embedding, src.reshape(-1), axis=0).reshape(src.shape + (DIM,))  # [S, B, DIM]
    pe = pos_enc[: src.shape[0]]  # [S, 1, DIM]
    # LResNet(add_pos): Lorentzian residual x + scale*y, renormalized onto hyperboloid
    out = emb + add_scale * pe
    inner = _lorentz_inner(out, out)
    out = out * (1.0 / jnp.sqrt(C)) / jnp.sqrt(jnp.clip(-inner, 1e-7, None))
    emb2 = jnp.transpose(out, (1, 0, 2))  # back to batch_first [B, S, DIM]
    # LorentzLinear(point): linear map then rebuild time coordinate
    h = emb2 @ W.T + b  # [B, S, DIM-1]
    time = jax.nn.sigmoid(h[..., :1]) * jnp.exp(point_scale) + 1.1
    x_narrow = h[..., 1:]
    s = (time * time - 1.0 / C) / jnp.clip(jnp.sum(x_narrow * x_narrow, axis=-1, keepdims=True), 1e-8, None)
    return jnp.concatenate([time, x_narrow * jnp.sqrt(s)], axis=-1)  # [B, S, DIM-1]

if __name__ == "__main__":
    import jax
    _d = setup_inputs()
    print(jax.jit(kernel)(*tuple(_d.values())))

</pallas_src>

<mosaic_0001>
#map = affine_map<(d0, d1) -> (0, 0, 0)>
#map1 = affine_map<(d0, d1) -> (0, 0)>
module attributes {stable_mosaic.version = 14 : i64} {
  func.func @k(%arg0: i32, %arg1: i32, %arg2: memref<32x50x128xi32, #tpu.memory_space<hbm>>, %arg3: memref<1015808x64xf32, #tpu.memory_space<hbm>>, %arg4: memref<204800x64xf32, #tpu.memory_space<hbm>>, %arg5: memref<50x128xi32, #tpu.memory_space<vmem>>, %arg6: memref<5x128x64xf32, #tpu.memory_space<vmem>>, %arg7: memref<5x!tpu.dma_semaphore, #tpu.memory_space<semaphore_mem>>, %arg8: memref<5x!tpu.dma_semaphore, #tpu.memory_space<semaphore_mem>>) attributes {dimension_semantics = [#tpu.dimension_semantics<core_parallel>, #tpu.dimension_semantics<subcore_parallel>], iteration_bounds = array<i64: 2, 16>, scalar_prefetch = 0 : i64, scratch_operands = 4 : i64, tpu.core_type = #tpu.core_type<sc_vector_subcore>, window_params = [{transform_indices = #map}, {transform_indices = #map1}, {transform_indices = #map1}]} {
    %mul3A = arith.constant 2 : i32
    %mul3A_0 = arith.muli %arg1, %mul3A : i32
    %add3A = arith.addi %mul3A_0, %arg0 : i32
    %mul3A_1 = arith.constant 6400 : i32
    %mul3A_2 = arith.muli %add3A, %mul3A_1 : i32
    "tpu.region"() ({
      %run_scoped3A = tpu.sem_alloc : memref<!tpu.dma_semaphore, #tpu.memory_space<semaphore_mem>>
      %dma_start3A_172 = arith.constant 0 : i32
      %dma_start3A_173 = arith.constant 0 : i32
      %dma_start3A_174 = tpu.memref_slice %arg2[%add3A, %dma_start3A_172, %dma_start3A_173] : memref<32x50x128xi32, #tpu.memory_space<hbm>> -> memref<1x50x128xi32, #tpu.memory_space<hbm>>
      %dma_start3A_175 = tpu.memref_squeeze %dma_start3A_174 : memref<1x50x128xi32, #tpu.memory_space<hbm>> -> memref<50x128xi32, #tpu.memory_space<hbm>>
      %dma_start3A_176 = arith.constant 0 : i32
      %dma_start3A_177 = arith.constant 0 : i32
      %dma_start3A_178 = tpu.memref_slice %arg2[%add3A, %dma_start3A_176, %dma_start3A_177] : memref<32x50x128xi32, #tpu.memory_space<hbm>> -> memref<1x50x128xi32, #tpu.memory_space<hbm>>
      %dma_start3A_179 = tpu.memref_squeeze %dma_start3A_178 : memref<1x50x128xi32, #tpu.memory_space<hbm>> -> memref<50x128xi32, #tpu.memory_space<hbm>>
      tpu.enqueue_dma source(%dma_start3A_179 : memref<50x128xi32, #tpu.memory_space<hbm>>) target(%arg5 : memref<50x128xi32, #tpu.memory_space<vmem>>) target_semaphore(%run_scoped3A : memref<!tpu.dma_semaphore, #tpu.memory_space<semaphore_mem>>)
      %dma_wait3A_180 = arith.constant 0 : i32
      %dma_wait3A_181 = arith.constant 0 : i32
      %dma_wait3A_182 = tpu.memref_slice %arg2[%add3A, %dma_wait3A_180, %dma_wait3A_181] : memref<32x50x128xi32, #tpu.memory_space<hbm>> -> memref<1x50x128xi32, #tpu.memory_space<hbm>>
      %dma_wait3A_183 = tpu.memref_squeeze %dma_wait3A_182 : memref<1x50x128xi32, #tpu.memory_space<hbm>> -> memref<50x128xi32, #tpu.memory_space<hbm>>
      %dma_wait3A_184 = arith.constant 0 : i32
      %dma_wait3A_185 = arith.constant 0 : i32
      %dma_wait3A_186 = tpu.memref_slice %arg2[%add3A, %dma_wait3A_184, %dma_wait3A_185] : memref<32x50x128xi32, #tpu.memory_space<hbm>> -> memref<1x50x128xi32, #tpu.memory_space<hbm>>
      %dma_wait3A_187 = tpu.memref_squeeze %dma_wait3A_186 : memref<1x50x128xi32, #tpu.memory_space<hbm>> -> memref<50x128xi32, #tpu.memory_space<hbm>>
      tpu.wait_dma2 semaphore(%run_scoped3A : memref<!tpu.dma_semaphore, #tpu.memory_space<semaphore_mem>>) src(%dma_wait3A_187 : memref<50x128xi32, #tpu.memory_space<hbm>>) dst(%arg5 : memref<50x128xi32, #tpu.memory_space<vmem>>)
      tpu.yield
    }) : () -> ()
    %dma_start3A = arith.constant 0 : i32
    %dma_start3A_3 = arith.constant 0 : i32
    %dma_start3A_4 = arith.constant 0 : i32
    %dma_start3A_5 = arith.constant 0 : i32
    %dma_start3A_6 = arith.constant 0 : i32
    %dma_start3A_7 = tpu.memref_slice %arg6[%dma_start3A_3, %dma_start3A_5, %dma_start3A_6] : memref<5x128x64xf32, #tpu.memory_space<vmem>> -> memref<1x128x64xf32, #tpu.memory_space<vmem>>
    %dma_start3A_8 = tpu.memref_squeeze %dma_start3A_7 : memref<1x128x64xf32, #tpu.memory_space<vmem>> -> memref<128x64xf32, #tpu.memory_space<vmem>>
    %dma_start3A_9 = arith.constant 0 : i32
    %dma_start3A_10 = tpu.memref_slice %arg5[%dma_start3A, %dma_start3A_9] : memref<50x128xi32, #tpu.memory_space<vmem>> -> memref<1x128xi32, #tpu.memory_space<vmem>>
    %dma_start3A_11 = tpu.memref_squeeze %dma_start3A_10 : memref<1x128xi32, #tpu.memory_space<vmem>> -> memref<128xi32, #tpu.memory_space<vmem>>
    %dma_start3A_12 = arith.constant 0 : i32
    %dma_start3A_13 = arith.constant 0 : i32
    %dma_start3A_14 = tpu.memref_slice %arg3[%dma_start3A_12, %dma_start3A_13] : memref<1015808x64xf32, #tpu.memory_space<hbm>> -> memref<1015808x64xf32, #tpu.memory_space<hbm>>
    %dma_start3A_15 = tpu.memref_slice %arg7[%dma_start3A_4] : memref<5x!tpu.dma_semaphore, #tpu.memory_space<semaphore_mem>> -> memref<1x!tpu.dma_semaphore, #tpu.memory_space<semaphore_mem>>
    %dma_start3A_16 = tpu.memref_squeeze %dma_start3A_15 : memref<1x!tpu.dma_semaphore, #tpu.memory_space<semaphore_mem>> -> memref<!tpu.dma_semaphore, #tpu.memory_space<semaphore_mem>>
    tpu.enqueue_indirect_dma source(%dma_start3A_14 : memref<1015808x64xf32, #tpu.memory_space<hbm>>) target(%dma_start3A_8 : memref<128x64xf32, #tpu.memory_space<vmem>>) offsets(%dma_start3A_11 : memref<128xi32, #tpu.memory_space<vmem>>) semaphore(%dma_start3A_16 : memref<!tpu.dma_semaphore, #tpu.memory_space<semaphore_mem>>)
    %dma_start3A_17 = arith.constant 1 : i32
    %dma_start3A_18 = arith.constant 1 : i32
    %dma_start3A_19 = arith.constant 1 : i32
    %dma_start3A_20 = arith.constant 0 : i32
    %dma_start3A_21 = arith.constant 0 : i32
    %dma_start3A_22 = tpu.memref_slice %arg6[%dma_start3A_18, %dma_start3A_20, %dma_start3A_21] : memref<5x128x64xf32, #tpu.memory_space<vmem>> -> memref<1x128x64xf32, #tpu.memory_space<vmem>>
    %dma_start3A_23 = tpu.memref_squeeze %dma_start3A_22 : memref<1x128x64xf32, #tpu.memory_space<vmem>> -> memref<128x64xf32, #tpu.memory_space<vmem>>
    %dma_start3A_24 = arith.constant 0 : i32
    %dma_start3A_25 = tpu.memref_slice %arg5[%dma_start3A_17, %dma_start3A_24] : memref<50x128xi32, #tpu.memory_space<vmem>> -> memref<1x128xi32, #tpu.memory_space<vmem>>
    %dma_start3A_26 = tpu.memref_squeeze %dma_start3A_25 : memref<1x128xi32, #tpu.memory_space<vmem>> -> memref<128xi32, #tpu.memory_space<vmem>>
    %dma_start3A_27 = arith.constant 0 : i32
    %dma_start3A_28 = arith.constant 0 : i32
    %dma_start3A_29 = tpu.memref_slice %arg3[%dma_start3A_27, %dma_start3A_28] : memref<1015808x64xf32, #tpu.memory_space<hbm>> -> memref<1015808x64xf32, #tpu.memory_space<hbm>>
    %dma_start3A_30 = tpu.memref_slice %arg7[%dma_start3A_19] : memref<5x!tpu.dma_semaphore, #tpu.memory_space<semaphore_mem>> -> memref<1x!tpu.dma_semaphore, #tpu.memory_space<semaphore_mem>>
    %dma_start3A_31 = tpu.memref_squeeze %dma_start3A_30 : memref<1x!tpu.dma_semaphore, #tpu.memory_space<semaphore_mem>> -> memref<!tpu.dma_semaphore, #tpu.memory_space<semaphore_mem>>
    tpu.enqueue_indirect_dma source(%dma_start3A_29 : memref<1015808x64xf32, #tpu.memory_space<hbm>>) target(%dma_start3A_23 : memref<128x64xf32, #tpu.memory_space<vmem>>) offsets(%dma_start3A_26 : memref<128xi32, #tpu.memory_space<vmem>>) semaphore(%dma_start3A_31 : memref<!tpu.dma_semaphore, #tpu.memory_space<semaphore_mem>>)
    %dma_start3A_32 = arith.constant 2 : i32
    %dma_start3A_33 = arith.constant 2 : i32
    %dma_start3A_34 = arith.constant 2 : i32
    %dma_start3A_35 = arith.constant 0 : i32
    %dma_start3A_36 = arith.constant 0 : i32
    %dma_start3A_37 = tpu.memref_slice %arg6[%dma_start3A_33, %dma_start3A_35, %dma_start3A_36] : memref<5x128x64xf32, #tpu.memory_space<vmem>> -> memref<1x128x64xf32, #tpu.memory_space<vmem>>
    %dma_start3A_38 = tpu.memref_squeeze %dma_start3A_37 : memref<1x128x64xf32, #tpu.memory_space<vmem>> -> memref<128x64xf32, #tpu.memory_space<vmem>>
    %dma_start3A_39 = arith.constant 0 : i32
    %dma_start3A_40 = tpu.memref_slice %arg5[%dma_start3A_32, %dma_start3A_39] : memref<50x128xi32, #tpu.memory_space<vmem>> -> memref<1x128xi32, #tpu.memory_space<vmem>>
    %dma_start3A_41 = tpu.memref_squeeze %dma_start3A_40 : memref<1x128xi32, #tpu.memory_space<vmem>> -> memref<128xi32, #tpu.memory_space<vmem>>
    %dma_start3A_42 = arith.constant 0 : i32
    %dma_start3A_43 = arith.constant 0 : i32
    %dma_start3A_44 = tpu.memref_slice %arg3[%dma_start3A_42, %dma_start3A_43] : memref<1015808x64xf32, #tpu.memory_space<hbm>> -> memref<1015808x64xf32, #tpu.memory_space<hbm>>
    %dma_start3A_45 = tpu.memref_slice %arg7[%dma_start3A_34] : memref<5x!tpu.dma_semaphore, #tpu.memory_space<semaphore_mem>> -> memref<1x!tpu.dma_semaphore, #tpu.memory_space<semaphore_mem>>
    %dma_start3A_46 = tpu.memref_squeeze %dma_start3A_45 : memref<1x!tpu.dma_semaphore, #tpu.memory_space<semaphore_mem>> -> memref<!tpu.dma_semaphore, #tpu.memory_space<semaphore_mem>>
    tpu.enqueue_indirect_dma source(%dma_start3A_44 : memref<1015808x64xf32, #tpu.memory_space<hbm>>) target(%dma_start3A_38 : memref<128x64xf32, #tpu.memory_space<vmem>>) offsets(%dma_start3A_41 : memref<128xi32, #tpu.memory_space<vmem>>) semaphore(%dma_start3A_46 : memref<!tpu.dma_semaphore, #tpu.memory_space<semaphore_mem>>)
    %dma_start3A_47 = arith.constant 3 : i32
    %dma_start3A_48 = arith.constant 3 : i32
    %dma_start3A_49 = arith.constant 3 : i32
    %dma_start3A_50 = arith.constant 0 : i32
    %dma_start3A_51 = arith.constant 0 : i32
    %dma_start3A_52 = tpu.memref_slice %arg6[%dma_start3A_48, %dma_start3A_50, %dma_start3A_51] : memref<5x128x64xf32, #tpu.memory_space<vmem>> -> memref<1x128x64xf32, #tpu.memory_space<vmem>>
    %dma_start3A_53 = tpu.memref_squeeze %dma_start3A_52 : memref<1x128x64xf32, #tpu.memory_space<vmem>> -> memref<128x64xf32, #tpu.memory_space<vmem>>
    %dma_start3A_54 = arith.constant 0 : i32
    %dma_start3A_55 = tpu.memref_slice %arg5[%dma_start3A_47, %dma_start3A_54] : memref<50x128xi32, #tpu.memory_space<vmem>> -> memref<1x128xi32, #tpu.memory_space<vmem>>
    %dma_start3A_56 = tpu.memref_squeeze %dma_start3A_55 : memref<1x128xi32, #tpu.memory_space<vmem>> -> memref<128xi32, #tpu.memory_space<vmem>>
    %dma_start3A_57 = arith.constant 0 : i32
    %dma_start3A_58 = arith.constant 0 : i32
    %dma_start3A_59 = tpu.memref_slice %arg3[%dma_start3A_57, %dma_start3A_58] : memref<1015808x64xf32, #tpu.memory_space<hbm>> -> memref<1015808x64xf32, #tpu.memory_space<hbm>>
    %dma_start3A_60 = tpu.memref_slice %arg7[%dma_start3A_49] : memref<5x!tpu.dma_semaphore, #tpu.memory_space<semaphore_mem>> -> memref<1x!tpu.dma_semaphore, #tpu.memory_space<semaphore_mem>>
    %dma_start3A_61 = tpu.memref_squeeze %dma_start3A_60 : memref<1x!tpu.dma_semaphore, #tpu.memory_space<semaphore_mem>> -> memref<!tpu.dma_semaphore, #tpu.memory_space<semaphore_mem>>
    tpu.enqueue_indirect_dma source(%dma_start3A_59 : memref<1015808x64xf32, #tpu.memory_space<hbm>>) target(%dma_start3A_53 : memref<128x64xf32, #tpu.memory_space<vmem>>) offsets(%dma_start3A_56 : memref<128xi32, #tpu.memory_space<vmem>>) semaphore(%dma_start3A_61 : memref<!tpu.dma_semaphore, #tpu.memory_space<semaphore_mem>>)
    %dma_start3A_62 = arith.constant 4 : i32
    %dma_start3A_63 = arith.constant 4 : i32
    %dma_start3A_64 = arith.constant 4 : i32
    %dma_start3A_65 = arith.constant 0 : i32
    %dma_start3A_66 = arith.constant 0 : i32
    %dma_start3A_67 = tpu.memref_slice %arg6[%dma_start3A_63, %dma_start3A_65, %dma_start3A_66] : memref<5x128x64xf32, #tpu.memory_space<vmem>> -> memref<1x128x64xf32, #tpu.memory_space<vmem>>
    %dma_start3A_68 = tpu.memref_squeeze %dma_start3A_67 : memref<1x128x64xf32, #tpu.memory_space<vmem>> -> memref<128x64xf32, #tpu.memory_space<vmem>>
    %dma_start3A_69 = arith.constant 0 : i32
    %dma_start3A_70 = tpu.memref_slice %arg5[%dma_start3A_62, %dma_start3A_69] : memref<50x128xi32, #tpu.memory_space<vmem>> -> memref<1x128xi32, #tpu.memory_space<vmem>>
    %dma_start3A_71 = tpu.memref_squeeze %dma_start3A_70 : memref<1x128xi32, #tpu.memory_space<vmem>> -> memref<128xi32, #tpu.memory_space<vmem>>
    %dma_start3A_72 = arith.constant 0 : i32
    %dma_start3A_73 = arith.constant 0 : i32
    %dma_start3A_74 = tpu.memref_slice %arg3[%dma_start3A_72, %dma_start3A_73] : memref<1015808x64xf32, #tpu.memory_space<hbm>> -> memref<1015808x64xf32, #tpu.memory_space<hbm>>
    %dma_start3A_75 = tpu.memref_slice %arg7[%dma_start3A_64] : memref<5x!tpu.dma_semaphore, #tpu.memory_space<semaphore_mem>> -> memref<1x!tpu.dma_semaphore, #tpu.memory_space<semaphore_mem>>
    %dma_start3A_76 = tpu.memref_squeeze %dma_start3A_75 : memref<1x!tpu.dma_semaphore, #tpu.memory_space<semaphore_mem>> -> memref<!tpu.dma_semaphore, #tpu.memory_space<semaphore_mem>>
    tpu.enqueue_indirect_dma source(%dma_start3A_74 : memref<1015808x64xf32, #tpu.memory_space<hbm>>) target(%dma_start3A_68 : memref<128x64xf32, #tpu.memory_space<vmem>>) offsets(%dma_start3A_71 : memref<128xi32, #tpu.memory_space<vmem>>) semaphore(%dma_start3A_76 : memref<!tpu.dma_semaphore, #tpu.memory_space<semaphore_mem>>)
    %scan3A = arith.constant 0 : i32
    %scan3A_77 = arith.constant 0 : i32
    %scan3A_78 = arith.constant 10 : i32
    %scan3A_79 = arith.addi %scan3A_77, %scan3A_78 : i32
    %scan3A_80 = arith.constant 1 : i32
    %scan3A_81 = scf.for %scan3A_172 = %scan3A_77 to %scan3A_79 step %scan3A_80 iter_args(%scan3A_173 = %scan3A) -> (i32)  : i32 {
      %mul3A_174 = arith.constant 5 : i32
      %mul3A_175 = arith.muli %scan3A_172, %mul3A_174 : i32
      %add3A_176 = arith.constant 0 : i32
      %add3A_177 = arith.addi %mul3A_175, %add3A_176 : i32
      %dma_wait3A_178 = arith.constant 0 : i32
      %dma_wait3A_179 = arith.constant 0 : i32
      %dma_wait3A_180 = arith.constant 0 : i32
      %dma_wait3A_181 = arith.constant 0 : i32
      %dma_wait3A_182 = tpu.memref_slice %arg6[%dma_wait3A_178, %dma_wait3A_180, %dma_wait3A_181] : memref<5x128x64xf32, #tpu.memory_space<vmem>> -> memref<1x128x64xf32, #tpu.memory_space<vmem>>
      %dma_wait3A_183 = tpu.memref_squeeze %dma_wait3A_182 : memref<1x128x64xf32, #tpu.memory_space<vmem>> -> memref<128x64xf32, #tpu.memory_space<vmem>>
      %dma_wait3A_184 = arith.constant 0 : i32
      %dma_wait3A_185 = tpu.memref_slice %arg5[%add3A_177, %dma_wait3A_184] : memref<50x128xi32, #tpu.memory_space<vmem>> -> memref<1x128xi32, #tpu.memory_space<vmem>>
      %dma_wait3A_186 = tpu.memref_squeeze %dma_wait3A_185 : memref<1x128xi32, #tpu.memory_space<vmem>> -> memref<128xi32, #tpu.memory_space<vmem>>
      %dma_wait3A_187 = arith.constant 0 : i32
      %dma_wait3A_188 = arith.constant 0 : i32
      %dma_wait3A_189 = tpu.memref_slice %arg3[%dma_wait3A_187, %dma_wait3A_188] : memref<1015808x64xf32, #tpu.memory_space<hbm>> -> memref<1015808x64xf32, #tpu.memory_space<hbm>>
      %dma_wait3A_190 = tpu.memref_slice %arg7[%dma_wait3A_179] : memref<5x!tpu.dma_semaphore, #tpu.memory_space<semaphore_mem>> -> memref<1x!tpu.dma_semaphore, #tpu.memory_space<semaphore_mem>>
      %dma_wait3A_191 = tpu.memref_squeeze %dma_wait3A_190 : memref<1x!tpu.dma_semaphore, #tpu.memory_space<semaphore_mem>> -> memref<!tpu.dma_semaphore, #tpu.memory_space<semaphore_mem>>
      tpu.wait_indirect_dma semaphore(%dma_wait3A_191 : memref<!tpu.dma_semaphore, #tpu.memory_space<semaphore_mem>>) src(%dma_wait3A_189 : memref<1015808x64xf32, #tpu.memory_space<hbm>>) dst(%dma_wait3A_183 : memref<128x64xf32, #tpu.memory_space<vmem>>)
      %mul3A_192 = arith.constant 128 : i32
      %mul3A_193 = arith.muli %add3A_177, %mul3A_192 : i32
      %add3A_194 = arith.addi %mul3A_2, %mul3A_193 : i32
      %dma_start3A_195 = arith.constant 0 : i32
      %dma_start3A_196 = arith.constant 0 : i32
      %dma_start3A_197 = arith.constant 0 : i32
      %dma_start3A_198 = arith.constant 0 : i32
      %dma_start3A_199 = tpu.memref_slice %arg6[%dma_start3A_195, %dma_start3A_197, %dma_start3A_198] : memref<5x128x64xf32, #tpu.memory_space<vmem>> -> memref<1x128x64xf32, #tpu.memory_space<vmem>>
      %dma_start3A_200 = tpu.memref_squeeze %dma_start3A_199 : memref<1x128x64xf32, #tpu.memory_space<vmem>> -> memref<128x64xf32, #tpu.memory_space<vmem>>
      %dma_start3A_201 = arith.constant 0 : i32
      %dma_start3A_202 = tpu.memref_slice %arg4[%add3A_194, %dma_start3A_201] : memref<204800x64xf32, #tpu.memory_space<hbm>> -> memref<128x64xf32, #tpu.memory_space<hbm>>
      %dma_start3A_203 = tpu.memref_slice %arg8[%dma_start3A_196] : memref<5x!tpu.dma_semaphore, #tpu.memory_space<semaphore_mem>> -> memref<1x!tpu.dma_semaphore, #tpu.memory_space<semaphore_mem>>
      %dma_start3A_204 = tpu.memref_squeeze %dma_start3A_203 : memref<1x!tpu.dma_semaphore, #tpu.memory_space<semaphore_mem>> -> memref<!tpu.dma_semaphore, #tpu.memory_space<semaphore_mem>>
      %dma_start3A_205 = arith.constant 0 : i32
      %dma_start3A_206 = tpu.memref_slice %arg4[%add3A_194, %dma_start3A_205] : memref<204800x64xf32, #tpu.memory_space<hbm>> -> memref<128x64xf32, #tpu.memory_space<hbm>>
      %dma_start3A_207 = arith.constant 0 : i32
      %dma_start3A_208 = arith.constant 0 : i32
      %dma_start3A_209 = tpu.memref_slice %arg6[%dma_start3A_195, %dma_start3A_207, %dma_start3A_208] : memref<5x128x64xf32, #tpu.memory_space<vmem>> -> memref<1x128x64xf32, #tpu.memory_space<vmem>>
      %dma_start3A_210 = tpu.memref_squeeze %dma_start3A_209 : memref<1x128x64xf32, #tpu.memory_space<vmem>> -> memref<128x64xf32, #tpu.memory_space<vmem>>
      tpu.enqueue_dma source(%dma_start3A_210 : memref<128x64xf32, #tpu.memory_space<vmem>>) target(%dma_start3A_206 : memref<128x64xf32, #tpu.memory_space<hbm>>) target_semaphore(%dma_start3A_204 : memref<!tpu.dma_semaphore, #tpu.memory_space<semaphore_mem>>)
      %lt3A = arith.constant 9 : i32
      %lt3A_211 = arith.cmpi slt, %scan3A_172, %lt3A : i32
      %convert_element_type3A = arith.extui %lt3A_211 : i1 to i32
      %cond3A = arith.constant 0 : i32
      %cond3A_212 = arith.cmpi ne, %convert_element_type3A, %cond3A : i32
      scf.if %cond3A_212 {
        %mul3A_382 = arith.constant 128 : i32
        %mul3A_383 = arith.muli %add3A_177, %mul3A_382 : i32
        %add3A_384 = arith.addi %mul3A_2, %mul3A_383 : i32
        %dma_wait3A_385 = arith.constant 0 : i32
        %dma_wait3A_386 = arith.constant 0 : i32
        %dma_wait3A_387 = arith.constant 0 : i32
        %dma_wait3A_388 = arith.constant 0 : i32
        %dma_wait3A_389 = tpu.memref_slice %arg6[%dma_wait3A_385, %dma_wait3A_387, %dma_wait3A_388] : memref<5x128x64xf32, #tpu.memory_space<vmem>> -> memref<1x128x64xf32, #tpu.memory_space<vmem>>
        %dma_wait3A_390 = tpu.memref_squeeze %dma_wait3A_389 : memref<1x128x64xf32, #tpu.memory_space<vmem>> -> memref<128x64xf32, #tpu.memory_space<vmem>>
        %dma_wait3A_391 = arith.constant 0 : i32
        %dma_wait3A_392 = tpu.memref_slice %arg4[%add3A_384, %dma_wait3A_391] : memref<204800x64xf32, #tpu.memory_space<hbm>> -> memref<128x64xf32, #tpu.memory_space<hbm>>
        %dma_wait3A_393 = tpu.memref_slice %arg8[%dma_wait3A_386] : memref<5x!tpu.dma_semaphore, #tpu.memory_space<semaphore_mem>> -> memref<1x!tpu.dma_semaphore, #tpu.memory_space<semaphore_mem>>
        %dma_wait3A_394 = tpu.memref_squeeze %dma_wait3A_393 : memref<1x!tpu.dma_semaphore, #tpu.memory_space<semaphore_mem>> -> memref<!tpu.dma_semaphore, #tpu.memory_space<semaphore_mem>>
        %dma_wait3A_395 = arith.constant 0 : i32
        %dma_wait3A_396 = tpu.memref_slice %arg4[%add3A_384, %dma_wait3A_395] : memref<204800x64xf32, #tpu.memory_space<hbm>> -> memref<128x64xf32, #tpu.memory_space<hbm>>
        %dma_wait3A_397 = arith.constant 0 : i32
        %dma_wait3A_398 = arith.constant 0 : i32
        %dma_wait3A_399 = tpu.memref_slice %arg6[%dma_wait3A_385, %dma_wait3A_397, %dma_wait3A_398] : memref<5x128x64xf32, #tpu.memory_space<vmem>> -> memref<1x128x64xf32, #tpu.memory_space<vmem>>
        %dma_wait3A_400 = tpu.memref_squeeze %dma_wait3A_399 : memref<1x128x64xf32, #tpu.memory_space<vmem>> -> memref<128x64xf32, #tpu.memory_space<vmem>>
        tpu.wait_dma2 semaphore(%dma_wait3A_394 : memref<!tpu.dma_semaphore, #tpu.memory_space<semaphore_mem>>) src(%dma_wait3A_400 : memref<128x64xf32, #tpu.memory_space<vmem>>) dst(%dma_wait3A_396 : memref<128x64xf32, #tpu.memory_space<hbm>>)
        %add3A_401 = arith.constant 5 : i32
        %add3A_402 = arith.addi %add3A_177, %add3A_401 : i32
        %dma_start3A_403 = arith.constant 0 : i32
        %dma_start3A_404 = arith.constant 0 : i32
        %dma_start3A_405 = arith.constant 0 : i32
        %dma_start3A_406 = arith.constant 0 : i32
        %dma_start3A_407 = tpu.memref_slice %arg6[%dma_start3A_403, %dma_start3A_405, %dma_start3A_406] : memref<5x128x64xf32, #tpu.memory_space<vmem>> -> memref<1x128x64xf32, #tpu.memory_space<vmem>>
        %dma_start3A_408 = tpu.memref_squeeze %dma_start3A_407 : memref<1x128x64xf32, #tpu.memory_space<vmem>> -> memref<128x64xf32, #tpu.memory_space<vmem>>
        %dma_start3A_409 = arith.constant 0 : i32
        %dma_start3A_410 = tpu.memref_slice %arg5[%add3A_402, %dma_start3A_409] : memref<50x128xi32, #tpu.memory_space<vmem>> -> memref<1x128xi32, #tpu.memory_space<vmem>>
        %dma_start3A_411 = tpu.memref_squeeze %dma_start3A_410 : memref<1x128xi32, #tpu.memory_space<vmem>> -> memref<128xi32, #tpu.memory_space<vmem>>
        %dma_start3A_412 = arith.constant 0 : i32
        %dma_start3A_413 = arith.constant 0 : i32
        %dma_start3A_414 = tpu.memref_slice %arg3[%dma_start3A_412, %dma_start3A_413] : memref<1015808x64xf32, #tpu.memory_space<hbm>> -> memref<1015808x64xf32, #tpu.memory_space<hbm>>
        %dma_start3A_415 = tpu.memref_slice %arg7[%dma_start3A_404] : memref<5x!tpu.dma_semaphore, #tpu.memory_space<semaphore_mem>> -> memref<1x!tpu.dma_semaphore, #tpu.memory_space<semaphore_mem>>
        %dma_start3A_416 = tpu.memref_squeeze %dma_start3A_415 : memref<1x!tpu.dma_semaphore, #tpu.memory_space<semaphore_mem>> -> memref<!tpu.dma_semaphore, #tpu.memory_space<semaphore_mem>>
        tpu.enqueue_indirect_dma source(%dma_start3A_414 : memref<1015808x64xf32, #tpu.memory_space<hbm>>) target(%dma_start3A_408 : memref<128x64xf32, #tpu.memory_space<vmem>>) offsets(%dma_start3A_411 : memref<128xi32, #tpu.memory_space<vmem>>) semaphore(%dma_start3A_416 : memref<!tpu.dma_semaphore, #tpu.memory_space<semaphore_mem>>)
      } else {
      }
      %mul3A_213 = arith.constant 5 : i32
      %mul3A_214 = arith.muli %scan3A_172, %mul3A_213 : i32
      %add3A_215 = arith.constant 1 : i32
      %add3A_216 = arith.addi %mul3A_214, %add3A_215 : i32
      %dma_wait3A_217 = arith.constant 1 : i32
      %dma_wait3A_218 = arith.constant 1 : i32
      %dma_wait3A_219 = arith.constant 0 : i32
      %dma_wait3A_220 = arith.constant 0 : i32
      %dma_wait3A_221 = tpu.memref_slice %arg6[%dma_wait3A_217, %dma_wait3A_219, %dma_wait3A_220] : memref<5x128x64xf32, #tpu.memory_space<vmem>> -> memref<1x128x64xf32, #tpu.memory_space<vmem>>
      %dma_wait3A_222 = tpu.memref_squeeze %dma_wait3A_221 : memref<1x128x64xf32, #tpu.memory_space<vmem>> -> memref<128x64xf32, #tpu.memory_space<vmem>>
      %dma_wait3A_223 = arith.constant 0 : i32
      %dma_wait3A_224 = tpu.memref_slice %arg5[%add3A_216, %dma_wait3A_223] : memref<50x128xi32, #tpu.memory_space<vmem>> -> memref<1x128xi32, #tpu.memory_space<vmem>>
      %dma_wait3A_225 = tpu.memref_squeeze %dma_wait3A_224 : memref<1x128xi32, #tpu.memory_space<vmem>> -> memref<128xi32, #tpu.memory_space<vmem>>
      %dma_wait3A_226 = arith.constant 0 : i32
      %dma_wait3A_227 = arith.constant 0 : i32
      %dma_wait3A_228 = tpu.memref_slice %arg3[%dma_wait3A_226, %dma_wait3A_227] : memref<1015808x64xf32, #tpu.memory_space<hbm>> -> memref<1015808x64xf32, #tpu.memory_space<hbm>>
      %dma_wait3A_229 = tpu.memref_slice %arg7[%dma_wait3A_218] : memref<5x!tpu.dma_semaphore, #tpu.memory_space<semaphore_mem>> -> memref<1x!tpu.dma_semaphore, #tpu.memory_space<semaphore_mem>>
      %dma_wait3A_230 = tpu.memref_squeeze %dma_wait3A_229 : memref<1x!tpu.dma_semaphore, #tpu.memory_space<semaphore_mem>> -> memref<!tpu.dma_semaphore, #tpu.memory_space<semaphore_mem>>
      tpu.wait_indirect_dma semaphore(%dma_wait3A_230 : memref<!tpu.dma_semaphore, #tpu.memory_space<semaphore_mem>>) src(%dma_wait3A_228 : memref<1015808x64xf32, #tpu.memory_space<hbm>>) dst(%dma_wait3A_222 : memref<128x64xf32, #tpu.memory_space<vmem>>)
      %mul3A_231 = arith.constant 128 : i32
      %mul3A_232 = arith.muli %add3A_216, %mul3A_231 : i32
      %add3A_233 = arith.addi %mul3A_2, %mul3A_232 : i32
      %dma_start3A_234 = arith.constant 1 : i32
      %dma_start3A_235 = arith.constant 1 : i32
      %dma_start3A_236 = arith.constant 0 : i32
      %dma_start3A_237 = arith.constant 0 : i32
      %dma_start3A_238 = tpu.memref_slice %arg6[%dma_start3A_234, %dma_start3A_236, %dma_start3A_237] : memref<5x128x64xf32, #tpu.memory_space<vmem>> -> memref<1x128x64xf32, #tpu.memory_space<vmem>>
      %dma_start3A_239 = tpu.memref_squeeze %dma_start3A_238 : memref<1x128x64xf32, #tpu.memory_space<vmem>> -> memref<128x64xf32, #tpu.memory_space<vmem>>
      %dma_start3A_240 = arith.constant 0 : i32
      %dma_start3A_241 = tpu.memref_slice %arg4[%add3A_233, %dma_start3A_240] : memref<204800x64xf32, #tpu.memory_space<hbm>> -> memref<128x64xf32, #tpu.memory_space<hbm>>
      %dma_start3A_242 = tpu.memref_slice %arg8[%dma_start3A_235] : memref<5x!tpu.dma_semaphore, #tpu.memory_space<semaphore_mem>> -> memref<1x!tpu.dma_semaphore, #tpu.memory_space<semaphore_mem>>
      %dma_start3A_243 = tpu.memref_squeeze %dma_start3A_242 : memref<1x!tpu.dma_semaphore, #tpu.memory_space<semaphore_mem>> -> memref<!tpu.dma_semaphore, #tpu.memory_space<semaphore_mem>>
      %dma_start3A_244 = arith.constant 0 : i32
      %dma_start3A_245 = tpu.memref_slice %arg4[%add3A_233, %dma_start3A_244] : memref<204800x64xf32, #tpu.memory_space<hbm>> -> memref<128x64xf32, #tpu.memory_space<hbm>>
      %dma_start3A_246 = arith.constant 0 : i32
      %dma_start3A_247 = arith.constant 0 : i32
      %dma_start3A_248 = tpu.memref_slice %arg6[%dma_start3A_234, %dma_start3A_246, %dma_start3A_247] : memref<5x128x64xf32, #tpu.memory_space<vmem>> -> memref<1x128x64xf32, #tpu.memory_space<vmem>>
      %dma_start3A_249 = tpu.memref_squeeze %dma_start3A_248 : memref<1x128x64xf32, #tpu.memory_space<vmem>> -> memref<128x64xf32, #tpu.memory_space<vmem>>
      tpu.enqueue_dma source(%dma_start3A_249 : memref<128x64xf32, #tpu.memory_space<vmem>>) target(%dma_start3A_245 : memref<128x64xf32, #tpu.memory_space<hbm>>) target_semaphore(%dma_start3A_243 : memref<!tpu.dma_semaphore, #tpu.memory_space<semaphore_mem>>)
      %lt3A_250 = arith.constant 9 : i32
      %lt3A_251 = arith.cmpi slt, %scan3A_172, %lt3A_250 : i32
      %convert_element_type3A_252 = arith.extui %lt3A_251 : i1 to i32
      %cond3A_253 = arith.constant 0 : i32
      %cond3A_254 = arith.cmpi ne, %convert_element_type3A_252, %cond3A_253 : i32
      scf.if %cond3A_254 {
        %mul3A_382 = arith.constant 128 : i32
        %mul3A_383 = arith.muli %add3A_216, %mul3A_382 : i32
        %add3A_384 = arith.addi %mul3A_2, %mul3A_383 : i32
        %dma_wait3A_385 = arith.constant 1 : i32
        %dma_wait3A_386 = arith.constant 1 : i32
        %dma_wait3A_387 = arith.constant 0 : i32
        %dma_wait3A_388 = arith.constant 0 : i32
        %dma_wait3A_389 = tpu.memref_slice %arg6[%dma_wait3A_385, %dma_wait3A_387, %dma_wait3A_388] : memref<5x128x64xf32, #tpu.memory_space<vmem>> -> memref<1x128x64xf32, #tpu.memory_space<vmem>>
        %dma_wait3A_390 = tpu.memref_squeeze %dma_wait3A_389 : memref<1x128x64xf32, #tpu.memory_space<vmem>> -> memref<128x64xf32, #tpu.memory_space<vmem>>
        %dma_wait3A_391 = arith.constant 0 : i32
        %dma_wait3A_392 = tpu.memref_slice %arg4[%add3A_384, %dma_wait3A_391] : memref<204800x64xf32, #tpu.memory_space<hbm>> -> memref<128x64xf32, #tpu.memory_space<hbm>>
        %dma_wait3A_393 = tpu.memref_slice %arg8[%dma_wait3A_386] : memref<5x!tpu.dma_semaphore, #tpu.memory_space<semaphore_mem>> -> memref<1x!tpu.dma_semaphore, #tpu.memory_space<semaphore_mem>>
        %dma_wait3A_394 = tpu.memref_squeeze %dma_wait3A_393 : memref<1x!tpu.dma_semaphore, #tpu.memory_space<semaphore_mem>> -> memref<!tpu.dma_semaphore, #tpu.memory_space<semaphore_mem>>
        %dma_wait3A_395 = arith.constant 0 : i32
        %dma_wait3A_396 = tpu.memref_slice %arg4[%add3A_384, %dma_wait3A_395] : memref<204800x64xf32, #tpu.memory_space<hbm>> -> memref<128x64xf32, #tpu.memory_space<hbm>>
        %dma_wait3A_397 = arith.constant 0 : i32
        %dma_wait3A_398 = arith.constant 0 : i32
        %dma_wait3A_399 = tpu.memref_slice %arg6[%dma_wait3A_385, %dma_wait3A_397, %dma_wait3A_398] : memref<5x128x64xf32, #tpu.memory_space<vmem>> -> memref<1x128x64xf32, #tpu.memory_space<vmem>>
        %dma_wait3A_400 = tpu.memref_squeeze %dma_wait3A_399 : memref<1x128x64xf32, #tpu.memory_space<vmem>> -> memref<128x64xf32, #tpu.memory_space<vmem>>
        tpu.wait_dma2 semaphore(%dma_wait3A_394 : memref<!tpu.dma_semaphore, #tpu.memory_space<semaphore_mem>>) src(%dma_wait3A_400 : memref<128x64xf32, #tpu.memory_space<vmem>>) dst(%dma_wait3A_396 : memref<128x64xf32, #tpu.memory_space<hbm>>)
        %add3A_401 = arith.constant 5 : i32
        %add3A_402 = arith.addi %add3A_216, %add3A_401 : i32
        %dma_start3A_403 = arith.constant 1 : i32
        %dma_start3A_404 = arith.constant 1 : i32
        %dma_start3A_405 = arith.constant 0 : i32
        %dma_start3A_406 = arith.constant 0 : i32
        %dma_start3A_407 = tpu.memref_slice %arg6[%dma_start3A_403, %dma_start3A_405, %dma_start3A_406] : memref<5x128x64xf32, #tpu.memory_space<vmem>> -> memref<1x128x64xf32, #tpu.memory_space<vmem>>
        %dma_start3A_408 = tpu.memref_squeeze %dma_start3A_407 : memref<1x128x64xf32, #tpu.memory_space<vmem>> -> memref<128x64xf32, #tpu.memory_space<vmem>>
        %dma_start3A_409 = arith.constant 0 : i32
        %dma_start3A_410 = tpu.memref_slice %arg5[%add3A_402, %dma_start3A_409] : memref<50x128xi32, #tpu.memory_space<vmem>> -> memref<1x128xi32, #tpu.memory_space<vmem>>
        %dma_start3A_411 = tpu.memref_squeeze %dma_start3A_410 : memref<1x128xi32, #tpu.memory_space<vmem>> -> memref<128xi32, #tpu.memory_space<vmem>>
        %dma_start3A_412 = arith.constant 0 : i32
        %dma_start3A_413 = arith.constant 0 : i32
        %dma_start3A_414 = tpu.memref_slice %arg3[%dma_start3A_412, %dma_start3A_413] : memref<1015808x64xf32, #tpu.memory_space<hbm>> -> memref<1015808x64xf32, #tpu.memory_space<hbm>>
        %dma_start3A_415 = tpu.memref_slice %arg7[%dma_start3A_404] : memref<5x!tpu.dma_semaphore, #tpu.memory_space<semaphore_mem>> -> memref<1x!tpu.dma_semaphore, #tpu.memory_space<semaphore_mem>>
        %dma_start3A_416 = tpu.memref_squeeze %dma_start3A_415 : memref<1x!tpu.dma_semaphore, #tpu.memory_space<semaphore_mem>> -> memref<!tpu.dma_semaphore, #tpu.memory_space<semaphore_mem>>
        tpu.enqueue_indirect_dma source(%dma_start3A_414 : memref<1015808x64xf32, #tpu.memory_space<hbm>>) target(%dma_start3A_408 : memref<128x64xf32, #tpu.memory_space<vmem>>) offsets(%dma_start3A_411 : memref<128xi32, #tpu.memory_space<vmem>>) semaphore(%dma_start3A_416 : memref<!tpu.dma_semaphore, #tpu.memory_space<semaphore_mem>>)
      } else {
      }
      %mul3A_255 = arith.constant 5 : i32
      %mul3A_256 = arith.muli %scan3A_172, %mul3A_255 : i32
      %add3A_257 = arith.constant 2 : i32
      %add3A_258 = arith.addi %mul3A_256, %add3A_257 : i32
      %dma_wait3A_259 = arith.constant 2 : i32
      %dma_wait3A_260 = arith.constant 2 : i32
      %dma_wait3A_261 = arith.constant 0 : i32
      %dma_wait3A_262 = arith.constant 0 : i32
      %dma_wait3A_263 = tpu.memref_slice %arg6[%dma_wait3A_259, %dma_wait3A_261, %dma_wait3A_262] : memref<5x128x64xf32, #tpu.memory_space<vmem>> -> memref<1x128x64xf32, #tpu.memory_space<vmem>>
      %dma_wait3A_264 = tpu.memref_squeeze %dma_wait3A_263 : memref<1x128x64xf32, #tpu.memory_space<vmem>> -> memref<128x64xf32, #tpu.memory_space<vmem>>
      %dma_wait3A_265 = arith.constant 0 : i32
      %dma_wait3A_266 = tpu.memref_slice %arg5[%add3A_258, %dma_wait3A_265] : memref<50x128xi32, #tpu.memory_space<vmem>> -> memref<1x128xi32, #tpu.memory_space<vmem>>
      %dma_wait3A_267 = tpu.memref_squeeze %dma_wait3A_266 : memref<1x128xi32, #tpu.memory_space<vmem>> -> memref<128xi32, #tpu.memory_space<vmem>>
      %dma_wait3A_268 = arith.constant 0 : i32
      %dma_wait3A_269 = arith.constant 0 : i32
      %dma_wait3A_270 = tpu.memref_slice %arg3[%dma_wait3A_268, %dma_wait3A_269] : memref<1015808x64xf32, #tpu.memory_space<hbm>> -> memref<1015808x64xf32, #tpu.memory_space<hbm>>
      %dma_wait3A_271 = tpu.memref_slice %arg7[%dma_wait3A_260] : memref<5x!tpu.dma_semaphore, #tpu.memory_space<semaphore_mem>> -> memref<1x!tpu.dma_semaphore, #tpu.memory_space<semaphore_mem>>
      %dma_wait3A_272 = tpu.memref_squeeze %dma_wait3A_271 : memref<1x!tpu.dma_semaphore, #tpu.memory_space<semaphore_mem>> -> memref<!tpu.dma_semaphore, #tpu.memory_space<semaphore_mem>>
      tpu.wait_indirect_dma semaphore(%dma_wait3A_272 : memref<!tpu.dma_semaphore, #tpu.memory_space<semaphore_mem>>) src(%dma_wait3A_270 : memref<1015808x64xf32, #tpu.memory_space<hbm>>) dst(%dma_wait3A_264 : memref<128x64xf32, #tpu.memory_space<vmem>>)
      %mul3A_273 = arith.constant 128 : i32
      %mul3A_274 = arith.muli %add3A_258, %mul3A_273 : i32
      %add3A_275 = arith.addi %mul3A_2, %mul3A_274 : i32
      %dma_start3A_276 = arith.constant 2 : i32
      %dma_start3A_277 = arith.constant 2 : i32
      %dma_start3A_278 = arith.constant 0 : i32
      %dma_start3A_279 = arith.constant 0 : i32
      %dma_start3A_280 = tpu.memref_slice %arg6[%dma_start3A_276, %dma_start3A_278, %dma_start3A_279] : memref<5x128x64xf32, #tpu.memory_space<vmem>> -> memref<1x128x64xf32, #tpu.memory_space<vmem>>
      %dma_start3A_281 = tpu.memref_squeeze %dma_start3A_280 : memref<1x128x64xf32, #tpu.memory_space<vmem>> -> memref<128x64xf32, #tpu.memory_space<vmem>>
      %dma_start3A_282 = arith.constant 0 : i32
      %dma_start3A_283 = tpu.memref_slice %arg4[%add3A_275, %dma_start3A_282] : memref<204800x64xf32, #tpu.memory_space<hbm>> -> memref<128x64xf32, #tpu.memory_space<hbm>>
      %dma_start3A_284 = tpu.memref_slice %arg8[%dma_start3A_277] : memref<5x!tpu.dma_semaphore, #tpu.memory_space<semaphore_mem>> -> memref<1x!tpu.dma_semaphore, #tpu.memory_space<semaphore_mem>>
      %dma_start3A_285 = tpu.memref_squeeze %dma_start3A_284 : memref<1x!tpu.dma_semaphore, #tpu.memory_space<semaphore_mem>> -> memref<!tpu.dma_semaphore, #tpu.memory_space<semaphore_mem>>
      %dma_start3A_286 = arith.constant 0 : i32
      %dma_start3A_287 = tpu.memref_slice %arg4[%add3A_275, %dma_start3A_286] : memref<204800x64xf32, #tpu.memory_space<hbm>> -> memref<128x64xf32, #tpu.memory_space<hbm>>
      %dma_start3A_288 = arith.constant 0 : i32
      %dma_start3A_289 = arith.constant 0 : i32
      %dma_start3A_290 = tpu.memref_slice %arg6[%dma_start3A_276, %dma_start3A_288, %dma_start3A_289] : memref<5x128x64xf32, #tpu.memory_space<vmem>> -> memref<1x128x64xf32, #tpu.memory_space<vmem>>
      %dma_start3A_291 = tpu.memref_squeeze %dma_start3A_290 : memref<1x128x64xf32, #tpu.memory_space<vmem>> -> memref<128x64xf32, #tpu.memory_space<vmem>>
      tpu.enqueue_dma source(%dma_start3A_291 : memref<128x64xf32, #tpu.memory_space<vmem>>) target(%dma_start3A_287 : memref<128x64xf32, #tpu.memory_space<hbm>>) target_semaphore(%dma_start3A_285 : memref<!tpu.dma_semaphore, #tpu.memory_space<semaphore_mem>>)
      %lt3A_292 = arith.constant 9 : i32
      %lt3A_293 = arith.cmpi slt, %scan3A_172, %lt3A_292 : i32
      %convert_element_type3A_294 = arith.extui %lt3A_293 : i1 to i32
      %cond3A_295 = arith.constant 0 : i32
      %cond3A_296 = arith.cmpi ne, %convert_element_type3A_294, %cond3A_295 : i32
      scf.if %cond3A_296 {
        %mul3A_382 = arith.constant 128 : i32
        %mul3A_383 = arith.muli %add3A_258, %mul3A_382 : i32
        %add3A_384 = arith.addi %mul3A_2, %mul3A_383 : i32
        %dma_wait3A_385 = arith.constant 2 : i32
        %dma_wait3A_386 = arith.constant 2 : i32
        %dma_wait3A_387 = arith.constant 0 : i32
        %dma_wait3A_388 = arith.constant 0 : i32
        %dma_wait3A_389 = tpu.memref_slice %arg6[%dma_wait3A_385, %dma_wait3A_387, %dma_wait3A_388] : memref<5x128x64xf32, #tpu.memory_space<vmem>> -> memref<1x128x64xf32, #tpu.memory_space<vmem>>
        %dma_wait3A_390 = tpu.memref_squeeze %dma_wait3A_389 : memref<1x128x64xf32, #tpu.memory_space<vmem>> -> memref<128x64xf32, #tpu.memory_space<vmem>>
        %dma_wait3A_391 = arith.constant 0 : i32
        %dma_wait3A_392 = tpu.memref_slice %arg4[%add3A_384, %dma_wait3A_391] : memref<204800x64xf32, #tpu.memory_space<hbm>> -> memref<128x64xf32, #tpu.memory_space<hbm>>
        %dma_wait3A_393 = tpu.memref_slice %arg8[%dma_wait3A_386] : memref<5x!tpu.dma_semaphore, #tpu.memory_space<semaphore_mem>> -> memref<1x!tpu.dma_semaphore, #tpu.memory_space<semaphore_mem>>
        %dma_wait3A_394 = tpu.memref_squeeze %dma_wait3A_393 : memref<1x!tpu.dma_semaphore, #tpu.memory_space<semaphore_mem>> -> memref<!tpu.dma_semaphore, #tpu.memory_space<semaphore_mem>>
        %dma_wait3A_395 = arith.constant 0 : i32
        %dma_wait3A_396 = tpu.memref_slice %arg4[%add3A_384, %dma_wait3A_395] : memref<204800x64xf32, #tpu.memory_space<hbm>> -> memref<128x64xf32, #tpu.memory_space<hbm>>
        %dma_wait3A_397 = arith.constant 0 : i32
        %dma_wait3A_398 = arith.constant 0 : i32
        %dma_wait3A_399 = tpu.memref_slice %arg6[%dma_wait3A_385, %dma_wait3A_397, %dma_wait3A_398] : memref<5x128x64xf32, #tpu.memory_space<vmem>> -> memref<1x128x64xf32, #tpu.memory_space<vmem>>
        %dma_wait3A_400 = tpu.memref_squeeze %dma_wait3A_399 : memref<1x128x64xf32, #tpu.memory_space<vmem>> -> memref<128x64xf32, #tpu.memory_space<vmem>>
        tpu.wait_dma2 semaphore(%dma_wait3A_394 : memref<!tpu.dma_semaphore, #tpu.memory_space<semaphore_mem>>) src(%dma_wait3A_400 : memref<128x64xf32, #tpu.memory_space<vmem>>) dst(%dma_wait3A_396 : memref<128x64xf32, #tpu.memory_space<hbm>>)
        %add3A_401 = arith.constant 5 : i32
        %add3A_402 = arith.addi %add3A_258, %add3A_401 : i32
        %dma_start3A_403 = arith.constant 2 : i32
        %dma_start3A_404 = arith.constant 2 : i32
        %dma_start3A_405 = arith.constant 0 : i32
        %dma_start3A_406 = arith.constant 0 : i32
        %dma_start3A_407 = tpu.memref_slice %arg6[%dma_start3A_403, %dma_start3A_405, %dma_start3A_406] : memref<5x128x64xf32, #tpu.memory_space<vmem>> -> memref<1x128x64xf32, #tpu.memory_space<vmem>>
        %dma_start3A_408 = tpu.memref_squeeze %dma_start3A_407 : memref<1x128x64xf32, #tpu.memory_space<vmem>> -> memref<128x64xf32, #tpu.memory_space<vmem>>
        %dma_start3A_409 = arith.constant 0 : i32
        %dma_start3A_410 = tpu.memref_slice %arg5[%add3A_402, %dma_start3A_409] : memref<50x128xi32, #tpu.memory_space<vmem>> -> memref<1x128xi32, #tpu.memory_space<vmem>>
        %dma_start3A_411 = tpu.memref_squeeze %dma_start3A_410 : memref<1x128xi32, #tpu.memory_space<vmem>> -> memref<128xi32, #tpu.memory_space<vmem>>
        %dma_start3A_412 = arith.constant 0 : i32
        %dma_start3A_413 = arith.constant 0 : i32
        %dma_start3A_414 = tpu.memref_slice %arg3[%dma_start3A_412, %dma_start3A_413] : memref<1015808x64xf32, #tpu.memory_space<hbm>> -> memref<1015808x64xf32, #tpu.memory_space<hbm>>
        %dma_start3A_415 = tpu.memref_slice %arg7[%dma_start3A_404] : memref<5x!tpu.dma_semaphore, #tpu.memory_space<semaphore_mem>> -> memref<1x!tpu.dma_semaphore, #tpu.memory_space<semaphore_mem>>
        %dma_start3A_416 = tpu.memref_squeeze %dma_start3A_415 : memref<1x!tpu.dma_semaphore, #tpu.memory_space<semaphore_mem>> -> memref<!tpu.dma_semaphore, #tpu.memory_space<semaphore_mem>>
        tpu.enqueue_indirect_dma source(%dma_start3A_414 : memref<1015808x64xf32, #tpu.memory_space<hbm>>) target(%dma_start3A_408 : memref<128x64xf32, #tpu.memory_space<vmem>>) offsets(%dma_start3A_411 : memref<128xi32, #tpu.memory_space<vmem>>) semaphore(%dma_start3A_416 : memref<!tpu.dma_semaphore, #tpu.memory_space<semaphore_mem>>)
      } else {
      }
      %mul3A_297 = arith.constant 5 : i32
      %mul3A_298 = arith.muli %scan3A_172, %mul3A_297 : i32
      %add3A_299 = arith.constant 3 : i32
      %add3A_300 = arith.addi %mul3A_298, %add3A_299 : i32
      %dma_wait3A_301 = arith.constant 3 : i32
      %dma_wait3A_302 = arith.constant 3 : i32
      %dma_wait3A_303 = arith.constant 0 : i32
      %dma_wait3A_304 = arith.constant 0 : i32
      %dma_wait3A_305 = tpu.memref_slice %arg6[%dma_wait3A_301, %dma_wait3A_303, %dma_wait3A_304] : memref<5x128x64xf32, #tpu.memory_space<vmem>> -> memref<1x128x64xf32, #tpu.memory_space<vmem>>
      %dma_wait3A_306 = tpu.memref_squeeze %dma_wait3A_305 : memref<1x128x64xf32, #tpu.memory_space<vmem>> -> memref<128x64xf32, #tpu.memory_space<vmem>>
      %dma_wait3A_307 = arith.constant 0 : i32
      %dma_wait3A_308 = tpu.memref_slice %arg5[%add3A_300, %dma_wait3A_307] : memref<50x128xi32, #tpu.memory_space<vmem>> -> memref<1x128xi32, #tpu.memory_space<vmem>>
      %dma_wait3A_309 = tpu.memref_squeeze %dma_wait3A_308 : memref<1x128xi32, #tpu.memory_space<vmem>> -> memref<128xi32, #tpu.memory_space<vmem>>
      %dma_wait3A_310 = arith.constant 0 : i32
      %dma_wait3A_311 = arith.constant 0 : i32
      %dma_wait3A_312 = tpu.memref_slice %arg3[%dma_wait3A_310, %dma_wait3A_311] : memref<1015808x64xf32, #tpu.memory_space<hbm>> -> memref<1015808x64xf32, #tpu.memory_space<hbm>>
      %dma_wait3A_313 = tpu.memref_slice %arg7[%dma_wait3A_302] : memref<5x!tpu.dma_semaphore, #tpu.memory_space<semaphore_mem>> -> memref<1x!tpu.dma_semaphore, #tpu.memory_space<semaphore_mem>>
      %dma_wait3A_314 = tpu.memref_squeeze %dma_wait3A_313 : memref<1x!tpu.dma_semaphore, #tpu.memory_space<semaphore_mem>> -> memref<!tpu.dma_semaphore, #tpu.memory_space<semaphore_mem>>
      tpu.wait_indirect_dma semaphore(%dma_wait3A_314 : memref<!tpu.dma_semaphore, #tpu.memory_space<semaphore_mem>>) src(%dma_wait3A_312 : memref<1015808x64xf32, #tpu.memory_space<hbm>>) dst(%dma_wait3A_306 : memref<128x64xf32, #tpu.memory_space<vmem>>)
      %mul3A_315 = arith.constant 128 : i32
      %mul3A_316 = arith.muli %add3A_300, %mul3A_315 : i32
      %add3A_317 = arith.addi %mul3A_2, %mul3A_316 : i32
      %dma_start3A_318 = arith.constant 3 : i32
      %dma_start3A_319 = arith.constant 3 : i32
      %dma_start3A_320 = arith.constant 0 : i32
      %dma_start3A_321 = arith.constant 0 : i32
      %dma_start3A_322 = tpu.memref_slice %arg6[%dma_start3A_318, %dma_start3A_320, %dma_start3A_321] : memref<5x128x64xf32, #tpu.memory_space<vmem>> -> memref<1x128x64xf32, #tpu.memory_space<vmem>>
      %dma_start3A_323 = tpu.memref_squeeze %dma_start3A_322 : memref<1x128x64xf32, #tpu.memory_space<vmem>> -> memref<128x64xf32, #tpu.memory_space<vmem>>
      %dma_start3A_324 = arith.constant 0 : i32
      %dma_start3A_325 = tpu.memref_slice %arg4[%add3A_317, %dma_start3A_324] : memref<204800x64xf32, #tpu.memory_space<hbm>> -> memref<128x64xf32, #tpu.memory_space<hbm>>
      %dma_start3A_326 = tpu.memref_slice %arg8[%dma_start3A_319] : memref<5x!tpu.dma_semaphore, #tpu.memory_space<semaphore_mem>> -> memref<1x!tpu.dma_semaphore, #tpu.memory_space<semaphore_mem>>
      %dma_start3A_327 = tpu.memref_squeeze %dma_start3A_326 : memref<1x!tpu.dma_semaphore, #tpu.memory_space<semaphore_mem>> -> memref<!tpu.dma_semaphore, #tpu.memory_space<semaphore_mem>>
      %dma_start3A_328 = arith.constant 0 : i32
      %dma_start3A_329 = tpu.memref_slice %arg4[%add3A_317, %dma_start3A_328] : memref<204800x64xf32, #tpu.memory_space<hbm>> -> memref<128x64xf32, #tpu.memory_space<hbm>>
      %dma_start3A_330 = arith.constant 0 : i32
      %dma_start3A_331 = arith.constant 0 : i32
      %dma_start3A_332 = tpu.memref_slice %arg6[%dma_start3A_318, %dma_start3A_330, %dma_start3A_331] : memref<5x128x64xf32, #tpu.memory_space<vmem>> -> memref<1x128x64xf32, #tpu.memory_space<vmem>>
      %dma_start3A_333 = tpu.memref_squeeze %dma_start3A_332 : memref<1x128x64xf32, #tpu.memory_space<vmem>> -> memref<128x64xf32, #tpu.memory_space<vmem>>
      tpu.enqueue_dma source(%dma_start3A_333 : memref<128x64xf32, #tpu.memory_space<vmem>>) target(%dma_start3A_329 : memref<128x64xf32, #tpu.memory_space<hbm>>) target_semaphore(%dma_start3A_327 : memref<!tpu.dma_semaphore, #tpu.memory_space<semaphore_mem>>)
      %lt3A_334 = arith.constant 9 : i32
      %lt3A_335 = arith.cmpi slt, %scan3A_172, %lt3A_334 : i32
      %convert_element_type3A_336 = arith.extui %lt3A_335 : i1 to i32
      %cond3A_337 = arith.constant 0 : i32
      %cond3A_338 = arith.cmpi ne, %convert_element_type3A_336, %cond3A_337 : i32
      scf.if %cond3A_338 {
        %mul3A_382 = arith.constant 128 : i32
        %mul3A_383 = arith.muli %add3A_300, %mul3A_382 : i32
        %add3A_384 = arith.addi %mul3A_2, %mul3A_383 : i32
        %dma_wait3A_385 = arith.constant 3 : i32
        %dma_wait3A_386 = arith.constant 3 : i32
        %dma_wait3A_387 = arith.constant 0 : i32
        %dma_wait3A_388 = arith.constant 0 : i32
        %dma_wait3A_389 = tpu.memref_slice %arg6[%dma_wait3A_385, %dma_wait3A_387, %dma_wait3A_388] : memref<5x128x64xf32, #tpu.memory_space<vmem>> -> memref<1x128x64xf32, #tpu.memory_space<vmem>>
        %dma_wait3A_390 = tpu.memref_squeeze %dma_wait3A_389 : memref<1x128x64xf32, #tpu.memory_space<vmem>> -> memref<128x64xf32, #tpu.memory_space<vmem>>
        %dma_wait3A_391 = arith.constant 0 : i32
        %dma_wait3A_392 = tpu.memref_slice %arg4[%add3A_384, %dma_wait3A_391] : memref<204800x64xf32, #tpu.memory_space<hbm>> -> memref<128x64xf32, #tpu.memory_space<hbm>>
        %dma_wait3A_393 = tpu.memref_slice %arg8[%dma_wait3A_386] : memref<5x!tpu.dma_semaphore, #tpu.memory_space<semaphore_mem>> -> memref<1x!tpu.dma_semaphore, #tpu.memory_space<semaphore_mem>>
        %dma_wait3A_394 = tpu.memref_squeeze %dma_wait3A_393 : memref<1x!tpu.dma_semaphore, #tpu.memory_space<semaphore_mem>> -> memref<!tpu.dma_semaphore, #tpu.memory_space<semaphore_mem>>
        %dma_wait3A_395 = arith.constant 0 : i32
        %dma_wait3A_396 = tpu.memref_slice %arg4[%add3A_384, %dma_wait3A_395] : memref<204800x64xf32, #tpu.memory_space<hbm>> -> memref<128x64xf32, #tpu.memory_space<hbm>>
        %dma_wait3A_397 = arith.constant 0 : i32
        %dma_wait3A_398 = arith.constant 0 : i32
        %dma_wait3A_399 = tpu.memref_slice %arg6[%dma_wait3A_385, %dma_wait3A_397, %dma_wait3A_398] : memref<5x128x64xf32, #tpu.memory_space<vmem>> -> memref<1x128x64xf32, #tpu.memory_space<vmem>>
        %dma_wait3A_400 = tpu.memref_squeeze %dma_wait3A_399 : memref<1x128x64xf32, #tpu.memory_space<vmem>> -> memref<128x64xf32, #tpu.memory_space<vmem>>
        tpu.wait_dma2 semaphore(%dma_wait3A_394 : memref<!tpu.dma_semaphore, #tpu.memory_space<semaphore_mem>>) src(%dma_wait3A_400 : memref<128x64xf32, #tpu.memory_space<vmem>>) dst(%dma_wait3A_396 : memref<128x64xf32, #tpu.memory_space<hbm>>)
        %add3A_401 = arith.constant 5 : i32
        %add3A_402 = arith.addi %add3A_300, %add3A_401 : i32
        %dma_start3A_403 = arith.constant 3 : i32
        %dma_start3A_404 = arith.constant 3 : i32
        %dma_start3A_405 = arith.constant 0 : i32
        %dma_start3A_406 = arith.constant 0 : i32
        %dma_start3A_407 = tpu.memref_slice %arg6[%dma_start3A_403, %dma_start3A_405, %dma_start3A_406] : memref<5x128x64xf32, #tpu.memory_space<vmem>> -> memref<1x128x64xf32, #tpu.memory_space<vmem>>
        %dma_start3A_408 = tpu.memref_squeeze %dma_start3A_407 : memref<1x128x64xf32, #tpu.memory_space<vmem>> -> memref<128x64xf32, #tpu.memory_space<vmem>>
        %dma_start3A_409 = arith.constant 0 : i32
        %dma_start3A_410 = tpu.memref_slice %arg5[%add3A_402, %dma_start3A_409] : memref<50x128xi32, #tpu.memory_space<vmem>> -> memref<1x128xi32, #tpu.memory_space<vmem>>
        %dma_start3A_411 = tpu.memref_squeeze %dma_start3A_410 : memref<1x128xi32, #tpu.memory_space<vmem>> -> memref<128xi32, #tpu.memory_space<vmem>>
        %dma_start3A_412 = arith.constant 0 : i32
        %dma_start3A_413 = arith.constant 0 : i32
        %dma_start3A_414 = tpu.memref_slice %arg3[%dma_start3A_412, %dma_start3A_413] : memref<1015808x64xf32, #tpu.memory_space<hbm>> -> memref<1015808x64xf32, #tpu.memory_space<hbm>>
        %dma_start3A_415 = tpu.memref_slice %arg7[%dma_start3A_404] : memref<5x!tpu.dma_semaphore, #tpu.memory_space<semaphore_mem>> -> memref<1x!tpu.dma_semaphore, #tpu.memory_space<semaphore_mem>>
        %dma_start3A_416 = tpu.memref_squeeze %dma_start3A_415 : memref<1x!tpu.dma_semaphore, #tpu.memory_space<semaphore_mem>> -> memref<!tpu.dma_semaphore, #tpu.memory_space<semaphore_mem>>
        tpu.enqueue_indirect_dma source(%dma_start3A_414 : memref<1015808x64xf32, #tpu.memory_space<hbm>>) target(%dma_start3A_408 : memref<128x64xf32, #tpu.memory_space<vmem>>) offsets(%dma_start3A_411 : memref<128xi32, #tpu.memory_space<vmem>>) semaphore(%dma_start3A_416 : memref<!tpu.dma_semaphore, #tpu.memory_space<semaphore_mem>>)
      } else {
      }
      %mul3A_339 = arith.constant 5 : i32
      %mul3A_340 = arith.muli %scan3A_172, %mul3A_339 : i32
      %add3A_341 = arith.constant 4 : i32
      %add3A_342 = arith.addi %mul3A_340, %add3A_341 : i32
      %dma_wait3A_343 = arith.constant 4 : i32
      %dma_wait3A_344 = arith.constant 4 : i32
      %dma_wait3A_345 = arith.constant 0 : i32
      %dma_wait3A_346 = arith.constant 0 : i32
      %dma_wait3A_347 = tpu.memref_slice %arg6[%dma_wait3A_343, %dma_wait3A_345, %dma_wait3A_346] : memref<5x128x64xf32, #tpu.memory_space<vmem>> -> memref<1x128x64xf32, #tpu.memory_space<vmem>>
      %dma_wait3A_348 = tpu.memref_squeeze %dma_wait3A_347 : memref<1x128x64xf32, #tpu.memory_space<vmem>> -> memref<128x64xf32, #tpu.memory_space<vmem>>
      %dma_wait3A_349 = arith.constant 0 : i32
      %dma_wait3A_350 = tpu.memref_slice %arg5[%add3A_342, %dma_wait3A_349] : memref<50x128xi32, #tpu.memory_space<vmem>> -> memref<1x128xi32, #tpu.memory_space<vmem>>
      %dma_wait3A_351 = tpu.memref_squeeze %dma_wait3A_350 : memref<1x128xi32, #tpu.memory_space<vmem>> -> memref<128xi32, #tpu.memory_space<vmem>>
      %dma_wait3A_352 = arith.constant 0 : i32
      %dma_wait3A_353 = arith.constant 0 : i32
      %dma_wait3A_354 = tpu.memref_slice %arg3[%dma_wait3A_352, %dma_wait3A_353] : memref<1015808x64xf32, #tpu.memory_space<hbm>> -> memref<1015808x64xf32, #tpu.memory_space<hbm>>
      %dma_wait3A_355 = tpu.memref_slice %arg7[%dma_wait3A_344] : memref<5x!tpu.dma_semaphore, #tpu.memory_space<semaphore_mem>> -> memref<1x!tpu.dma_semaphore, #tpu.memory_space<semaphore_mem>>
      %dma_wait3A_356 = tpu.memref_squeeze %dma_wait3A_355 : memref<1x!tpu.dma_semaphore, #tpu.memory_space<semaphore_mem>> -> memref<!tpu.dma_semaphore, #tpu.memory_space<semaphore_mem>>
      tpu.wait_indirect_dma semaphore(%dma_wait3A_356 : memref<!tpu.dma_semaphore, #tpu.memory_space<semaphore_mem>>) src(%dma_wait3A_354 : memref<1015808x64xf32, #tpu.memory_space<hbm>>) dst(%dma_wait3A_348 : memref<128x64xf32, #tpu.memory_space<vmem>>)
      %mul3A_357 = arith.constant 128 : i32
      %mul3A_358 = arith.muli %add3A_342, %mul3A_357 : i32
      %add3A_359 = arith.addi %mul3A_2, %mul3A_358 : i32
      %dma_start3A_360 = arith.constant 4 : i32
      %dma_start3A_361 = arith.constant 4 : i32
      %dma_start3A_362 = arith.constant 0 : i32
      %dma_start3A_363 = arith.constant 0 : i32
      %dma_start3A_364 = tpu.memref_slice %arg6[%dma_start3A_360, %dma_start3A_362, %dma_start3A_363] : memref<5x128x64xf32, #tpu.memory_space<vmem>> -> memref<1x128x64xf32, #tpu.memory_space<vmem>>
      %dma_start3A_365 = tpu.memref_squeeze %dma_start3A_364 : memref<1x128x64xf32, #tpu.memory_space<vmem>> -> memref<128x64xf32, #tpu.memory_space<vmem>>
      %dma_start3A_366 = arith.constant 0 : i32
      %dma_start3A_367 = tpu.memref_slice %arg4[%add3A_359, %dma_start3A_366] : memref<204800x64xf32, #tpu.memory_space<hbm>> -> memref<128x64xf32, #tpu.memory_space<hbm>>
      %dma_start3A_368 = tpu.memref_slice %arg8[%dma_start3A_361] : memref<5x!tpu.dma_semaphore, #tpu.memory_space<semaphore_mem>> -> memref<1x!tpu.dma_semaphore, #tpu.memory_space<semaphore_mem>>
      %dma_start3A_369 = tpu.memref_squeeze %dma_start3A_368 : memref<1x!tpu.dma_semaphore, #tpu.memory_space<semaphore_mem>> -> memref<!tpu.dma_semaphore, #tpu.memory_space<semaphore_mem>>
      %dma_start3A_370 = arith.constant 0 : i32
      %dma_start3A_371 = tpu.memref_slice %arg4[%add3A_359, %dma_start3A_370] : memref<204800x64xf32, #tpu.memory_space<hbm>> -> memref<128x64xf32, #tpu.memory_space<hbm>>
      %dma_start3A_372 = arith.constant 0 : i32
      %dma_start3A_373 = arith.constant 0 : i32
      %dma_start3A_374 = tpu.memref_slice %arg6[%dma_start3A_360, %dma_start3A_372, %dma_start3A_373] : memref<5x128x64xf32, #tpu.memory_space<vmem>> -> memref<1x128x64xf32, #tpu.memory_space<vmem>>
      %dma_start3A_375 = tpu.memref_squeeze %dma_start3A_374 : memref<1x128x64xf32, #tpu.memory_space<vmem>> -> memref<128x64xf32, #tpu.memory_space<vmem>>
      tpu.enqueue_dma source(%dma_start3A_375 : memref<128x64xf32, #tpu.memory_space<vmem>>) target(%dma_start3A_371 : memref<128x64xf32, #tpu.memory_space<hbm>>) target_semaphore(%dma_start3A_369 : memref<!tpu.dma_semaphore, #tpu.memory_space<semaphore_mem>>)
      %lt3A_376 = arith.constant 9 : i32
      %lt3A_377 = arith.cmpi slt, %scan3A_172, %lt3A_376 : i32
      %convert_element_type3A_378 = arith.extui %lt3A_377 : i1 to i32
      %cond3A_379 = arith.constant 0 : i32
      %cond3A_380 = arith.cmpi ne, %convert_element_type3A_378, %cond3A_379 : i32
      scf.if %cond3A_380 {
        %mul3A_382 = arith.constant 128 : i32
        %mul3A_383 = arith.muli %add3A_342, %mul3A_382 : i32
        %add3A_384 = arith.addi %mul3A_2, %mul3A_383 : i32
        %dma_wait3A_385 = arith.constant 4 : i32
        %dma_wait3A_386 = arith.constant 4 : i32
        %dma_wait3A_387 = arith.constant 0 : i32
        %dma_wait3A_388 = arith.constant 0 : i32
        %dma_wait3A_389 = tpu.memref_slice %arg6[%dma_wait3A_385, %dma_wait3A_387, %dma_wait3A_388] : memref<5x128x64xf32, #tpu.memory_space<vmem>> -> memref<1x128x64xf32, #tpu.memory_space<vmem>>
        %dma_wait3A_390 = tpu.memref_squeeze %dma_wait3A_389 : memref<1x128x64xf32, #tpu.memory_space<vmem>> -> memref<128x64xf32, #tpu.memory_space<vmem>>
        %dma_wait3A_391 = arith.constant 0 : i32
        %dma_wait3A_392 = tpu.memref_slice %arg4[%add3A_384, %dma_wait3A_391] : memref<204800x64xf32, #tpu.memory_space<hbm>> -> memref<128x64xf32, #tpu.memory_space<hbm>>
        %dma_wait3A_393 = tpu.memref_slice %arg8[%dma_wait3A_386] : memref<5x!tpu.dma_semaphore, #tpu.memory_space<semaphore_mem>> -> memref<1x!tpu.dma_semaphore, #tpu.memory_space<semaphore_mem>>
        %dma_wait3A_394 = tpu.memref_squeeze %dma_wait3A_393 : memref<1x!tpu.dma_semaphore, #tpu.memory_space<semaphore_mem>> -> memref<!tpu.dma_semaphore, #tpu.memory_space<semaphore_mem>>
        %dma_wait3A_395 = arith.constant 0 : i32
        %dma_wait3A_396 = tpu.memref_slice %arg4[%add3A_384, %dma_wait3A_395] : memref<204800x64xf32, #tpu.memory_space<hbm>> -> memref<128x64xf32, #tpu.memory_space<hbm>>
        %dma_wait3A_397 = arith.constant 0 : i32
        %dma_wait3A_398 = arith.constant 0 : i32
        %dma_wait3A_399 = tpu.memref_slice %arg6[%dma_wait3A_385, %dma_wait3A_397, %dma_wait3A_398] : memref<5x128x64xf32, #tpu.memory_space<vmem>> -> memref<1x128x64xf32, #tpu.memory_space<vmem>>
        %dma_wait3A_400 = tpu.memref_squeeze %dma_wait3A_399 : memref<1x128x64xf32, #tpu.memory_space<vmem>> -> memref<128x64xf32, #tpu.memory_space<vmem>>
        tpu.wait_dma2 semaphore(%dma_wait3A_394 : memref<!tpu.dma_semaphore, #tpu.memory_space<semaphore_mem>>) src(%dma_wait3A_400 : memref<128x64xf32, #tpu.memory_space<vmem>>) dst(%dma_wait3A_396 : memref<128x64xf32, #tpu.memory_space<hbm>>)
        %add3A_401 = arith.constant 5 : i32
        %add3A_402 = arith.addi %add3A_342, %add3A_401 : i32
        %dma_start3A_403 = arith.constant 4 : i32
        %dma_start3A_404 = arith.constant 4 : i32
        %dma_start3A_405 = arith.constant 0 : i32
        %dma_start3A_406 = arith.constant 0 : i32
        %dma_start3A_407 = tpu.memref_slice %arg6[%dma_start3A_403, %dma_start3A_405, %dma_start3A_406] : memref<5x128x64xf32, #tpu.memory_space<vmem>> -> memref<1x128x64xf32, #tpu.memory_space<vmem>>
        %dma_start3A_408 = tpu.memref_squeeze %dma_start3A_407 : memref<1x128x64xf32, #tpu.memory_space<vmem>> -> memref<128x64xf32, #tpu.memory_space<vmem>>
        %dma_start3A_409 = arith.constant 0 : i32
        %dma_start3A_410 = tpu.memref_slice %arg5[%add3A_402, %dma_start3A_409] : memref<50x128xi32, #tpu.memory_space<vmem>> -> memref<1x128xi32, #tpu.memory_space<vmem>>
        %dma_start3A_411 = tpu.memref_squeeze %dma_start3A_410 : memref<1x128xi32, #tpu.memory_space<vmem>> -> memref<128xi32, #tpu.memory_space<vmem>>
        %dma_start3A_412 = arith.constant 0 : i32
        %dma_start3A_413 = arith.constant 0 : i32
        %dma_start3A_414 = tpu.memref_slice %arg3[%dma_start3A_412, %dma_start3A_413] : memref<1015808x64xf32, #tpu.memory_space<hbm>> -> memref<1015808x64xf32, #tpu.memory_space<hbm>>
        %dma_start3A_415 = tpu.memref_slice %arg7[%dma_start3A_404] : memref<5x!tpu.dma_semaphore, #tpu.memory_space<semaphore_mem>> -> memref<1x!tpu.dma_semaphore, #tpu.memory_space<semaphore_mem>>
        %dma_start3A_416 = tpu.memref_squeeze %dma_start3A_415 : memref<1x!tpu.dma_semaphore, #tpu.memory_space<semaphore_mem>> -> memref<!tpu.dma_semaphore, #tpu.memory_space<semaphore_mem>>
        tpu.enqueue_indirect_dma source(%dma_start3A_414 : memref<1015808x64xf32, #tpu.memory_space<hbm>>) target(%dma_start3A_408 : memref<128x64xf32, #tpu.memory_space<vmem>>) offsets(%dma_start3A_411 : memref<128xi32, #tpu.memory_space<vmem>>) semaphore(%dma_start3A_416 : memref<!tpu.dma_semaphore, #tpu.memory_space<semaphore_mem>>)
      } else {
      }
      %scan3A_381 = arith.constant 0 : i32
      scf.yield %scan3A_381 : i32
    }
    %scan3A_82 = arith.constant 10 : i32
    %add3A_83 = arith.constant 5760 : i32
    %add3A_84 = arith.addi %mul3A_2, %add3A_83 : i32
    %dma_wait3A = arith.constant 0 : i32
    %dma_wait3A_85 = arith.constant 0 : i32
    %dma_wait3A_86 = arith.constant 0 : i32
    %dma_wait3A_87 = arith.constant 0 : i32
    %dma_wait3A_88 = tpu.memref_slice %arg6[%dma_wait3A, %dma_wait3A_86, %dma_wait3A_87] : memref<5x128x64xf32, #tpu.memory_space<vmem>> -> memref<1x128x64xf32, #tpu.memory_space<vmem>>
    %dma_wait3A_89 = tpu.memref_squeeze %dma_wait3A_88 : memref<1x128x64xf32, #tpu.memory_space<vmem>> -> memref<128x64xf32, #tpu.memory_space<vmem>>
    %dma_wait3A_90 = arith.constant 0 : i32
    %dma_wait3A_91 = tpu.memref_slice %arg4[%add3A_84, %dma_wait3A_90] : memref<204800x64xf32, #tpu.memory_space<hbm>> -> memref<128x64xf32, #tpu.memory_space<hbm>>
    %dma_wait3A_92 = tpu.memref_slice %arg8[%dma_wait3A_85] : memref<5x!tpu.dma_semaphore, #tpu.memory_space<semaphore_mem>> -> memref<1x!tpu.dma_semaphore, #tpu.memory_space<semaphore_mem>>
    %dma_wait3A_93 = tpu.memref_squeeze %dma_wait3A_92 : memref<1x!tpu.dma_semaphore, #tpu.memory_space<semaphore_mem>> -> memref<!tpu.dma_semaphore, #tpu.memory_space<semaphore_mem>>
    %dma_wait3A_94 = arith.constant 0 : i32
    %dma_wait3A_95 = tpu.memref_slice %arg4[%add3A_84, %dma_wait3A_94] : memref<204800x64xf32, #tpu.memory_space<hbm>> -> memref<128x64xf32, #tpu.memory_space<hbm>>
    %dma_wait3A_96 = arith.constant 0 : i32
    %dma_wait3A_97 = arith.constant 0 : i32
    %dma_wait3A_98 = tpu.memref_slice %arg6[%dma_wait3A, %dma_wait3A_96, %dma_wait3A_97] : memref<5x128x64xf32, #tpu.memory_space<vmem>> -> memref<1x128x64xf32, #tpu.memory_space<vmem>>
    %dma_wait3A_99 = tpu.memref_squeeze %dma_wait3A_98 : memref<1x128x64xf32, #tpu.memory_space<vmem>> -> memref<128x64xf32, #tpu.memory_space<vmem>>
    tpu.wait_dma2 semaphore(%dma_wait3A_93 : memref<!tpu.dma_semaphore, #tpu.memory_space<semaphore_mem>>) src(%dma_wait3A_99 : memref<128x64xf32, #tpu.memory_space<vmem>>) dst(%dma_wait3A_95 : memref<128x64xf32, #tpu.memory_space<hbm>>)
    %add3A_100 = arith.constant 5888 : i32
    %add3A_101 = arith.addi %mul3A_2, %add3A_100 : i32
    %dma_wait3A_102 = arith.constant 1 : i32
    %dma_wait3A_103 = arith.constant 1 : i32
    %dma_wait3A_104 = arith.constant 0 : i32
    %dma_wait3A_105 = arith.constant 0 : i32
    %dma_wait3A_106 = tpu.memref_slice %arg6[%dma_wait3A_102, %dma_wait3A_104, %dma_wait3A_105] : memref<5x128x64xf32, #tpu.memory_space<vmem>> -> memref<1x128x64xf32, #tpu.memory_space<vmem>>
    %dma_wait3A_107 = tpu.memref_squeeze %dma_wait3A_106 : memref<1x128x64xf32, #tpu.memory_space<vmem>> -> memref<128x64xf32, #tpu.memory_space<vmem>>
    %dma_wait3A_108 = arith.constant 0 : i32
    %dma_wait3A_109 = tpu.memref_slice %arg4[%add3A_101, %dma_wait3A_108] : memref<204800x64xf32, #tpu.memory_space<hbm>> -> memref<128x64xf32, #tpu.memory_space<hbm>>
    %dma_wait3A_110 = tpu.memref_slice %arg8[%dma_wait3A_103] : memref<5x!tpu.dma_semaphore, #tpu.memory_space<semaphore_mem>> -> memref<1x!tpu.dma_semaphore, #tpu.memory_space<semaphore_mem>>
    %dma_wait3A_111 = tpu.memref_squeeze %dma_wait3A_110 : memref<1x!tpu.dma_semaphore, #tpu.memory_space<semaphore_mem>> -> memref<!tpu.dma_semaphore, #tpu.memory_space<semaphore_mem>>
    %dma_wait3A_112 = arith.constant 0 : i32
    %dma_wait3A_113 = tpu.memref_slice %arg4[%add3A_101, %dma_wait3A_112] : memref<204800x64xf32, #tpu.memory_space<hbm>> -> memref<128x64xf32, #tpu.memory_space<hbm>>
    %dma_wait3A_114 = arith.constant 0 : i32
    %dma_wait3A_115 = arith.constant 0 : i32
    %dma_wait3A_116 = tpu.memref_slice %arg6[%dma_wait3A_102, %dma_wait3A_114, %dma_wait3A_115] : memref<5x128x64xf32, #tpu.memory_space<vmem>> -> memref<1x128x64xf32, #tpu.memory_space<vmem>>
    %dma_wait3A_117 = tpu.memref_squeeze %dma_wait3A_116 : memref<1x128x64xf32, #tpu.memory_space<vmem>> -> memref<128x64xf32, #tpu.memory_space<vmem>>
    tpu.wait_dma2 semaphore(%dma_wait3A_111 : memref<!tpu.dma_semaphore, #tpu.memory_space<semaphore_mem>>) src(%dma_wait3A_117 : memref<128x64xf32, #tpu.memory_space<vmem>>) dst(%dma_wait3A_113 : memref<128x64xf32, #tpu.memory_space<hbm>>)
    %add3A_118 = arith.constant 6016 : i32
    %add3A_119 = arith.addi %mul3A_2, %add3A_118 : i32
    %dma_wait3A_120 = arith.constant 2 : i32
    %dma_wait3A_121 = arith.constant 2 : i32
    %dma_wait3A_122 = arith.constant 0 : i32
    %dma_wait3A_123 = arith.constant 0 : i32
    %dma_wait3A_124 = tpu.memref_slice %arg6[%dma_wait3A_120, %dma_wait3A_122, %dma_wait3A_123] : memref<5x128x64xf32, #tpu.memory_space<vmem>> -> memref<1x128x64xf32, #tpu.memory_space<vmem>>
    %dma_wait3A_125 = tpu.memref_squeeze %dma_wait3A_124 : memref<1x128x64xf32, #tpu.memory_space<vmem>> -> memref<128x64xf32, #tpu.memory_space<vmem>>
    %dma_wait3A_126 = arith.constant 0 : i32
    %dma_wait3A_127 = tpu.memref_slice %arg4[%add3A_119, %dma_wait3A_126] : memref<204800x64xf32, #tpu.memory_space<hbm>> -> memref<128x64xf32, #tpu.memory_space<hbm>>
    %dma_wait3A_128 = tpu.memref_slice %arg8[%dma_wait3A_121] : memref<5x!tpu.dma_semaphore, #tpu.memory_space<semaphore_mem>> -> memref<1x!tpu.dma_semaphore, #tpu.memory_space<semaphore_mem>>
    %dma_wait3A_129 = tpu.memref_squeeze %dma_wait3A_128 : memref<1x!tpu.dma_semaphore, #tpu.memory_space<semaphore_mem>> -> memref<!tpu.dma_semaphore, #tpu.memory_space<semaphore_mem>>
    %dma_wait3A_130 = arith.constant 0 : i32
    %dma_wait3A_131 = tpu.memref_slice %arg4[%add3A_119, %dma_wait3A_130] : memref<204800x64xf32, #tpu.memory_space<hbm>> -> memref<128x64xf32, #tpu.memory_space<hbm>>
    %dma_wait3A_132 = arith.constant 0 : i32
    %dma_wait3A_133 = arith.constant 0 : i32
    %dma_wait3A_134 = tpu.memref_slice %arg6[%dma_wait3A_120, %dma_wait3A_132, %dma_wait3A_133] : memref<5x128x64xf32, #tpu.memory_space<vmem>> -> memref<1x128x64xf32, #tpu.memory_space<vmem>>
    %dma_wait3A_135 = tpu.memref_squeeze %dma_wait3A_134 : memref<1x128x64xf32, #tpu.memory_space<vmem>> -> memref<128x64xf32, #tpu.memory_space<vmem>>
    tpu.wait_dma2 semaphore(%dma_wait3A_129 : memref<!tpu.dma_semaphore, #tpu.memory_space<semaphore_mem>>) src(%dma_wait3A_135 : memref<128x64xf32, #tpu.memory_space<vmem>>) dst(%dma_wait3A_131 : memref<128x64xf32, #tpu.memory_space<hbm>>)
    %add3A_136 = arith.constant 6144 : i32
    %add3A_137 = arith.addi %mul3A_2, %add3A_136 : i32
    %dma_wait3A_138 = arith.constant 3 : i32
    %dma_wait3A_139 = arith.constant 3 : i32
    %dma_wait3A_140 = arith.constant 0 : i32
    %dma_wait3A_141 = arith.constant 0 : i32
    %dma_wait3A_142 = tpu.memref_slice %arg6[%dma_wait3A_138, %dma_wait3A_140, %dma_wait3A_141] : memref<5x128x64xf32, #tpu.memory_space<vmem>> -> memref<1x128x64xf32, #tpu.memory_space<vmem>>
    %dma_wait3A_143 = tpu.memref_squeeze %dma_wait3A_142 : memref<1x128x64xf32, #tpu.memory_space<vmem>> -> memref<128x64xf32, #tpu.memory_space<vmem>>
    %dma_wait3A_144 = arith.constant 0 : i32
    %dma_wait3A_145 = tpu.memref_slice %arg4[%add3A_137, %dma_wait3A_144] : memref<204800x64xf32, #tpu.memory_space<hbm>> -> memref<128x64xf32, #tpu.memory_space<hbm>>
    %dma_wait3A_146 = tpu.memref_slice %arg8[%dma_wait3A_139] : memref<5x!tpu.dma_semaphore, #tpu.memory_space<semaphore_mem>> -> memref<1x!tpu.dma_semaphore, #tpu.memory_space<semaphore_mem>>
    %dma_wait3A_147 = tpu.memref_squeeze %dma_wait3A_146 : memref<1x!tpu.dma_semaphore, #tpu.memory_space<semaphore_mem>> -> memref<!tpu.dma_semaphore, #tpu.memory_space<semaphore_mem>>
    %dma_wait3A_148 = arith.constant 0 : i32
    %dma_wait3A_149 = tpu.memref_slice %arg4[%add3A_137, %dma_wait3A_148] : memref<204800x64xf32, #tpu.memory_space<hbm>> -> memref<128x64xf32, #tpu.memory_space<hbm>>
    %dma_wait3A_150 = arith.constant 0 : i32
    %dma_wait3A_151 = arith.constant 0 : i32
    %dma_wait3A_152 = tpu.memref_slice %arg6[%dma_wait3A_138, %dma_wait3A_150, %dma_wait3A_151] : memref<5x128x64xf32, #tpu.memory_space<vmem>> -> memref<1x128x64xf32, #tpu.memory_space<vmem>>
    %dma_wait3A_153 = tpu.memref_squeeze %dma_wait3A_152 : memref<1x128x64xf32, #tpu.memory_space<vmem>> -> memref<128x64xf32, #tpu.memory_space<vmem>>
    tpu.wait_dma2 semaphore(%dma_wait3A_147 : memref<!tpu.dma_semaphore, #tpu.memory_space<semaphore_mem>>) src(%dma_wait3A_153 : memref<128x64xf32, #tpu.memory_space<vmem>>) dst(%dma_wait3A_149 : memref<128x64xf32, #tpu.memory_space<hbm>>)
    %add3A_154 = arith.constant 6272 : i32
    %add3A_155 = arith.addi %mul3A_2, %add3A_154 : i32
    %dma_wait3A_156 = arith.constant 4 : i32
    %dma_wait3A_157 = arith.constant 4 : i32
    %dma_wait3A_158 = arith.constant 0 : i32
    %dma_wait3A_159 = arith.constant 0 : i32
    %dma_wait3A_160 = tpu.memref_slice %arg6[%dma_wait3A_156, %dma_wait3A_158, %dma_wait3A_159] : memref<5x128x64xf32, #tpu.memory_space<vmem>> -> memref<1x128x64xf32, #tpu.memory_space<vmem>>
    %dma_wait3A_161 = tpu.memref_squeeze %dma_wait3A_160 : memref<1x128x64xf32, #tpu.memory_space<vmem>> -> memref<128x64xf32, #tpu.memory_space<vmem>>
    %dma_wait3A_162 = arith.constant 0 : i32
    %dma_wait3A_163 = tpu.memref_slice %arg4[%add3A_155, %dma_wait3A_162] : memref<204800x64xf32, #tpu.memory_space<hbm>> -> memref<128x64xf32, #tpu.memory_space<hbm>>
    %dma_wait3A_164 = tpu.memref_slice %arg8[%dma_wait3A_157] : memref<5x!tpu.dma_semaphore, #tpu.memory_space<semaphore_mem>> -> memref<1x!tpu.dma_semaphore, #tpu.memory_space<semaphore_mem>>
    %dma_wait3A_165 = tpu.memref_squeeze %dma_wait3A_164 : memref<1x!tpu.dma_semaphore, #tpu.memory_space<semaphore_mem>> -> memref<!tpu.dma_semaphore, #tpu.memory_space<semaphore_mem>>
    %dma_wait3A_166 = arith.constant 0 : i32
    %dma_wait3A_167 = tpu.memref_slice %arg4[%add3A_155, %dma_wait3A_166] : memref<204800x64xf32, #tpu.memory_space<hbm>> -> memref<128x64xf32, #tpu.memory_space<hbm>>
    %dma_wait3A_168 = arith.constant 0 : i32
    %dma_wait3A_169 = arith.constant 0 : i32
    %dma_wait3A_170 = tpu.memref_slice %arg6[%dma_wait3A_156, %dma_wait3A_168, %dma_wait3A_169] : memref<5x128x64xf32, #tpu.memory_space<vmem>> -> memref<1x128x64xf32, #tpu.memory_space<vmem>>
    %dma_wait3A_171 = tpu.memref_squeeze %dma_wait3A_170 : memref<1x128x64xf32, #tpu.memory_space<vmem>> -> memref<128x64xf32, #tpu.memory_space<vmem>>
    tpu.wait_dma2 semaphore(%dma_wait3A_165 : memref<!tpu.dma_semaphore, #tpu.memory_space<semaphore_mem>>) src(%dma_wait3A_171 : memref<128x64xf32, #tpu.memory_space<vmem>>) dst(%dma_wait3A_167 : memref<128x64xf32, #tpu.memory_space<hbm>>)
    return
  }
}

module attributes {stable_mosaic.version = 14 : i64} {
  func.func @_detile_body(%arg0: i32, %arg1: memref<64x32768xf32, #tpu.memory_space<vmem>>, %arg2: memref<16384x128xf32, #tpu.memory_space<vmem>>) attributes {dimension_semantics = [#tpu.dimension_semantics<arbitrary>], iteration_bounds = array<i64: 31>, scalar_prefetch = 0 : i64, scratch_operands = 0 : i64, tpu.core_type = #tpu.core_type<tc>, window_params = [{transform_indices = @transform_0, window_bounds = array<i64: 64, 32768>}, {transform_indices = @transform_1, window_bounds = array<i64: 16384, 128>}]} {
    %get3A = arith.constant 0 : index
    %get3A_0 = arith.constant 0 : index
    %get3A_1 = vector.load %arg1[%get3A, %get3A_0] : memref<64x32768xf32, #tpu.memory_space<vmem>>, vector<64x32768xf32>
    %slice3A = vector.extract_strided_slice %get3A_1 {offsets = [0, 0], sizes = [64, 16384], strides = [1, 1]} : vector<64x32768xf32> to vector<64x16384xf32>
    %slice3A_2 = vector.extract_strided_slice %get3A_1 {offsets = [0, 16384], sizes = [64, 16384], strides = [1, 1]} : vector<64x32768xf32> to vector<64x16384xf32>
    %concatenate3A = tpu.concatenate %slice3A, %slice3A_2 in 0 : vector<64x16384xf32>, vector<64x16384xf32> -> vector<128x16384xf32>
    %transpose3A = tpu.transpose %concatenate3A, [1, 0] : vector<128x16384xf32> -> vector<16384x128xf32>
    %swap3A = arith.constant 0 : index
    %swap3A_3 = arith.constant 0 : index
    %swap3A_4 = vector.load %arg2[%swap3A, %swap3A_3] : memref<16384x128xf32, #tpu.memory_space<vmem>>, vector<16384x128xf32>
    tpu.vector_store %arg2[%swap3A, %swap3A_3], %transpose3A {strides = array<i32>} : memref<16384x128xf32, #tpu.memory_space<vmem>>, vector<16384x128xf32>,
    return
  }
  func.func @transform_0(%arg0: i32) -> (i32, i32) {
    %c0_i32 = arith.constant 0 : i32
    %c0_i32_0 = arith.constant 0 : i32
    return %c0_i32, %arg0 : i32, i32
  }
  func.func @transform_1(%arg0: i32) -> (i32, i32) {
    %c0_i32 = arith.constant 0 : i32
    %c0_i32_0 = arith.constant 0 : i32
    return %arg0, %c0_i32 : i32, i32
  }
}

module attributes {stable_mosaic.version = 14 : i64} {
  func.func @_tc_body(%arg0: i32, %arg1: memref<2048x128xf32, #tpu.memory_space<vmem>>, %arg2: memref<1x64x1xf32, #tpu.memory_space<vmem>>, %arg3: memref<128x128xf32, #tpu.memory_space<vmem>>, %arg4: memref<128x1xf32, #tpu.memory_space<vmem>>, %arg5: memref<1x1xf32, #tpu.memory_space<vmem>>, %arg6: memref<1x63x4096xf32, #tpu.memory_space<vmem>>) attributes {dimension_semantics = [#tpu.dimension_semantics<arbitrary>], iteration_bounds = array<i64: 50>, scalar_prefetch = 0 : i64, scratch_operands = 0 : i64, tpu.core_type = #tpu.core_type<tc>, window_params = [{transform_indices = @transform_0, window_bounds = array<i64: 2048, 128>}, {transform_indices = @transform_1, window_bounds = array<i64: 1, 64, 1>}, {pipeline_mode = #tpu.pipeline_mode<synchronous>, transform_indices = @transform_2, window_bounds = array<i64: 128, 128>}, {pipeline_mode = #tpu.pipeline_mode<synchronous>, transform_indices = @transform_3, window_bounds = array<i64: 128, 1>}, {pipeline_mode = #tpu.pipeline_mode<synchronous>, transform_indices = @transform_4, window_bounds = array<i64: 1, 1>}, {transform_indices = @transform_5, window_bounds = array<i64: 1, 63, 4096>}]} {
    %get3A = arith.constant 0 : index
    %get3A_0 = arith.constant 0 : index
    %get3A_1 = vector.load %arg1[%get3A, %get3A_0] : memref<2048x128xf32, #tpu.memory_space<vmem>>, vector<2048x128xf32>
    %transpose3A = tpu.transpose %get3A_1, [1, 0] : vector<2048x128xf32> -> vector<128x2048xf32>
    %get3A_2 = arith.constant 0 : index
    %get3A_3 = arith.constant 0 : index
    %get3A_4 = arith.constant 0 : index
    %get3A_5 = vector.load %arg2[%get3A_2, %get3A_3, %get3A_4] : memref<1x64x1xf32, #tpu.memory_space<vmem>>, vector<1x64x1xf32>
    %reshape3A = vector.shape_cast %get3A_5 : vector<1x64x1xf32> to vector<64x1xf32>
    %concatenate3A = tpu.concatenate %reshape3A, %reshape3A in 0 : vector<64x1xf32>, vector<64x1xf32> -> vector<128x1xf32>
    %add3A = vector.broadcast %concatenate3A : vector<128x1xf32> to vector<128x2048xf32>
    %add3A_6 = arith.addf %transpose3A, %add3A : vector<128x2048xf32>
    %mul3A = arith.mulf %add3A_6, %add3A_6 : vector<128x2048xf32>
    %slice3A = vector.extract_strided_slice %mul3A {offsets = [0, 0], sizes = [64, 2048], strides = [1, 1]} : vector<128x2048xf32> to vector<64x2048xf32>
    %reduce_sum3A = arith.constant dense<0.000000e+00> : vector<2048xf32>
    %reduce_sum3A_7 = vector.multi_reduction <add>, %slice3A, %reduce_sum3A [0] : vector<64x2048xf32> to vector<2048xf32>
    %broadcast_in_dim3A = vector.shape_cast %reduce_sum3A_7 : vector<2048xf32> to vector<1x2048xf32>
    %slice3A_8 = vector.extract_strided_slice %mul3A {offsets = [64, 0], sizes = [64, 2048], strides = [1, 1]} : vector<128x2048xf32> to vector<64x2048xf32>
    %reduce_sum3A_9 = arith.constant dense<0.000000e+00> : vector<2048xf32>
    %reduce_sum3A_10 = vector.multi_reduction <add>, %slice3A_8, %reduce_sum3A_9 [0] : vector<64x2048xf32> to vector<2048xf32>
    %broadcast_in_dim3A_11 = vector.shape_cast %reduce_sum3A_10 : vector<2048xf32> to vector<1x2048xf32>
    %slice3A_12 = vector.extract_strided_slice %add3A_6 {offsets = [0, 0], sizes = [1, 2048], strides = [1, 1]} : vector<128x2048xf32> to vector<1x2048xf32>
    %slice3A_13 = vector.extract_strided_slice %add3A_6 {offsets = [64, 0], sizes = [1, 2048], strides = [1, 1]} : vector<128x2048xf32> to vector<1x2048xf32>
    %mul3A_14 = arith.constant 2.000000e+00 : f32
    %mul3A_15 = vector.broadcast %mul3A_14 : f32 to vector<1x2048xf32>
    %mul3A_16 = arith.mulf %mul3A_15, %slice3A_12 : vector<1x2048xf32>
    %mul3A_17 = arith.mulf %mul3A_16, %slice3A_12 : vector<1x2048xf32>
    %sub3A = arith.subf %mul3A_17, %broadcast_in_dim3A : vector<1x2048xf32>
    %max3A = arith.constant 1.000000e-07 : f32
    %max3A_18 = vector.broadcast %max3A : f32 to vector<1x2048xf32>
    %max3A_19 = arith.maximumf %sub3A, %max3A_18 : vector<1x2048xf32>
    %rsqrt3A = math.rsqrt %max3A_19 : vector<1x2048xf32>
    %mul3A_20 = arith.constant 2.000000e+00 : f32
    %mul3A_21 = vector.broadcast %mul3A_20 : f32 to vector<1x2048xf32>
    %mul3A_22 = arith.mulf %mul3A_21, %slice3A_13 : vector<1x2048xf32>
    %mul3A_23 = arith.mulf %mul3A_22, %slice3A_13 : vector<1x2048xf32>
    %sub3A_24 = arith.subf %mul3A_23, %broadcast_in_dim3A_11 : vector<1x2048xf32>
    %max3A_25 = arith.constant 1.000000e-07 : f32
    %max3A_26 = vector.broadcast %max3A_25 : f32 to vector<1x2048xf32>
    %max3A_27 = arith.maximumf %sub3A_24, %max3A_26 : vector<1x2048xf32>
    %rsqrt3A_28 = math.rsqrt %max3A_27 : vector<1x2048xf32>
    %broadcast_in_dim3A_29 = vector.shape_cast %rsqrt3A : vector<1x2048xf32> to vector<1x2048xf32>
    %broadcast_in_dim3A_30 = vector.broadcast %broadcast_in_dim3A_29 : vector<1x2048xf32> to vector<64x2048xf32>
    %broadcast_in_dim3A_31 = vector.shape_cast %rsqrt3A_28 : vector<1x2048xf32> to vector<1x2048xf32>
    %broadcast_in_dim3A_32 = vector.broadcast %broadcast_in_dim3A_31 : vector<1x2048xf32> to vector<64x2048xf32>
    %concatenate3A_33 = tpu.concatenate %broadcast_in_dim3A_30, %broadcast_in_dim3A_32 in 0 : vector<64x2048xf32>, vector<64x2048xf32> -> vector<128x2048xf32>
    %mul3A_34 = arith.mulf %add3A_6, %concatenate3A_33 : vector<128x2048xf32>
    %get3A_35 = arith.constant 0 : index
    %get3A_36 = arith.constant 0 : index
    %get3A_37 = vector.load %arg3[%get3A_35, %get3A_36] : memref<128x128xf32, #tpu.memory_space<vmem>>, vector<128x128xf32>
    %dot_general3A = arith.constant dense<0.000000e+00> : vector<128x2048xf32>
    %dot_general3A_38 = tpu.matmul %get3A_37, %mul3A_34, %dot_general3A {dimension_numbers = #tpu.dot_dimension_numbers<[1], [0], [0], [1], [0, 0, 1, 1], [], []>, transpose_lhs_hint = false} : vector<128x128xf32>, vector<128x2048xf32>, vector<128x2048xf32> -> vector<128x2048xf32>
    %get3A_39 = arith.constant 0 : index
    %get3A_40 = arith.constant 0 : index
    %get3A_41 = vector.load %arg4[%get3A_39, %get3A_40] : memref<128x1xf32, #tpu.memory_space<vmem>>, vector<128x1xf32>
    %add3A_42 = vector.broadcast %get3A_41 : vector<128x1xf32> to vector<128x2048xf32>
    %add3A_43 = arith.addf %dot_general3A_38, %add3A_42 : vector<128x2048xf32>
    %get3A_44 = arith.constant 0 : index
    %get3A_45 = arith.constant 0 : index
    %get3A_46 = vector.load %arg5[%get3A_44, %get3A_45] : memref<1x1xf32, #tpu.memory_space<vmem>>, vector<1x1xf32>
    %get3A_47 = vector.extract %get3A_46[0, 0] : f32 from vector<1x1xf32>
    %slice3A_48 = vector.extract_strided_slice %add3A_43 {offsets = [0, 0], sizes = [1, 2048], strides = [1, 1]} : vector<128x2048xf32> to vector<1x2048xf32>
    %logistic3A = arith.negf %slice3A_48 : vector<1x2048xf32>
    %logistic3A_49 = math.exp %logistic3A : vector<1x2048xf32>
    %logistic3A_50 = arith.constant 1.000000e+00 : f32
    %logistic3A_51 = vector.broadcast %logistic3A_50 : f32 to vector<1x2048xf32>
    %logistic3A_52 = arith.addf %logistic3A_51, %logistic3A_49 : vector<1x2048xf32>
    %logistic3A_53 = arith.divf %logistic3A_51, %logistic3A_52 : vector<1x2048xf32>
    %mul3A_54 = vector.broadcast %get3A_47 : f32 to vector<1x2048xf32>
    %mul3A_55 = arith.mulf %logistic3A_53, %mul3A_54 : vector<1x2048xf32>
    %add3A_56 = arith.constant 1.100000e+00 : f32
    %add3A_57 = vector.broadcast %add3A_56 : f32 to vector<1x2048xf32>
    %add3A_58 = arith.addf %mul3A_55, %add3A_57 : vector<1x2048xf32>
    %slice3A_59 = vector.extract_strided_slice %add3A_43 {offsets = [64, 0], sizes = [1, 2048], strides = [1, 1]} : vector<128x2048xf32> to vector<1x2048xf32>
    %logistic3A_60 = arith.negf %slice3A_59 : vector<1x2048xf32>
    %logistic3A_61 = math.exp %logistic3A_60 : vector<1x2048xf32>
    %logistic3A_62 = arith.constant 1.000000e+00 : f32
    %logistic3A_63 = vector.broadcast %logistic3A_62 : f32 to vector<1x2048xf32>
    %logistic3A_64 = arith.addf %logistic3A_63, %logistic3A_61 : vector<1x2048xf32>
    %logistic3A_65 = arith.divf %logistic3A_63, %logistic3A_64 : vector<1x2048xf32>
    %mul3A_66 = vector.broadcast %get3A_47 : f32 to vector<1x2048xf32>
    %mul3A_67 = arith.mulf %logistic3A_65, %mul3A_66 : vector<1x2048xf32>
    %add3A_68 = arith.constant 1.100000e+00 : f32
    %add3A_69 = vector.broadcast %add3A_68 : f32 to vector<1x2048xf32>
    %add3A_70 = arith.addf %mul3A_67, %add3A_69 : vector<1x2048xf32>
    %slice3A_71 = vector.extract_strided_slice %add3A_43 {offsets = [0, 0], sizes = [64, 2048], strides = [1, 1]} : vector<128x2048xf32> to vector<64x2048xf32>
    %slice3A_72 = vector.extract_strided_slice %add3A_43 {offsets = [0, 0], sizes = [64, 2048], strides = [1, 1]} : vector<128x2048xf32> to vector<64x2048xf32>
    %mul3A_73 = arith.mulf %slice3A_71, %slice3A_72 : vector<64x2048xf32>
    %reduce_sum3A_74 = arith.constant dense<0.000000e+00> : vector<2048xf32>
    %reduce_sum3A_75 = vector.multi_reduction <add>, %mul3A_73, %reduce_sum3A_74 [0] : vector<64x2048xf32> to vector<2048xf32>
    %broadcast_in_dim3A_76 = vector.shape_cast %reduce_sum3A_75 : vector<2048xf32> to vector<1x2048xf32>
    %slice3A_77 = vector.extract_strided_slice %add3A_43 {offsets = [0, 0], sizes = [1, 2048], strides = [1, 1]} : vector<128x2048xf32> to vector<1x2048xf32>
    %slice3A_78 = vector.extract_strided_slice %add3A_43 {offsets = [0, 0], sizes = [1, 2048], strides = [1, 1]} : vector<128x2048xf32> to vector<1x2048xf32>
    %mul3A_79 = arith.mulf %slice3A_77, %slice3A_78 : vector<1x2048xf32>
    %sub3A_80 = arith.subf %broadcast_in_dim3A_76, %mul3A_79 : vector<1x2048xf32>
    %slice3A_81 = vector.extract_strided_slice %add3A_43 {offsets = [64, 0], sizes = [64, 2048], strides = [1, 1]} : vector<128x2048xf32> to vector<64x2048xf32>
    %slice3A_82 = vector.extract_strided_slice %add3A_43 {offsets = [64, 0], sizes = [64, 2048], strides = [1, 1]} : vector<128x2048xf32> to vector<64x2048xf32>
    %mul3A_83 = arith.mulf %slice3A_81, %slice3A_82 : vector<64x2048xf32>
    %reduce_sum3A_84 = arith.constant dense<0.000000e+00> : vector<2048xf32>
    %reduce_sum3A_85 = vector.multi_reduction <add>, %mul3A_83, %reduce_sum3A_84 [0] : vector<64x2048xf32> to vector<2048xf32>
    %broadcast_in_dim3A_86 = vector.shape_cast %reduce_sum3A_85 : vector<2048xf32> to vector<1x2048xf32>
    %slice3A_87 = vector.extract_strided_slice %add3A_43 {offsets = [64, 0], sizes = [1, 2048], strides = [1, 1]} : vector<128x2048xf32> to vector<1x2048xf32>
    %slice3A_88 = vector.extract_strided_slice %add3A_43 {offsets = [64, 0], sizes = [1, 2048], strides = [1, 1]} : vector<128x2048xf32> to vector<1x2048xf32>
    %mul3A_89 = arith.mulf %slice3A_87, %slice3A_88 : vector<1x2048xf32>
    %sub3A_90 = arith.subf %broadcast_in_dim3A_86, %mul3A_89 : vector<1x2048xf32>
    %mul3A_91 = arith.mulf %add3A_58, %add3A_58 : vector<1x2048xf32>
    %sub3A_92 = arith.constant 1.000000e+00 : f32
    %sub3A_93 = vector.broadcast %sub3A_92 : f32 to vector<1x2048xf32>
    %sub3A_94 = arith.subf %mul3A_91, %sub3A_93 : vector<1x2048xf32>
    %max3A_95 = arith.constant 9.99999993E-9 : f32
    %max3A_96 = vector.broadcast %max3A_95 : f32 to vector<1x2048xf32>
    %max3A_97 = arith.maximumf %sub3A_80, %max3A_96 : vector<1x2048xf32>
    %div3A = arith.divf %sub3A_94, %max3A_97 : vector<1x2048xf32>
    %mul3A_98 = arith.mulf %add3A_70, %add3A_70 : vector<1x2048xf32>
    %sub3A_99 = arith.constant 1.000000e+00 : f32
    %sub3A_100 = vector.broadcast %sub3A_99 : f32 to vector<1x2048xf32>
    %sub3A_101 = arith.subf %mul3A_98, %sub3A_100 : vector<1x2048xf32>
    %max3A_102 = arith.constant 9.99999993E-9 : f32
    %max3A_103 = vector.broadcast %max3A_102 : f32 to vector<1x2048xf32>
    %max3A_104 = arith.maximumf %sub3A_90, %max3A_103 : vector<1x2048xf32>
    %div3A_105 = arith.divf %sub3A_101, %max3A_104 : vector<1x2048xf32>
    %iota3A = tpu.iota {dimensions = array<i32: 0>} : vector<64x2048xi32>
    %eq3A = arith.constant 0 : i32
    %eq3A_106 = vector.broadcast %eq3A : i32 to vector<64x2048xi32>
    %eq3A_107 = arith.cmpi eq, %iota3A, %eq3A_106 : vector<64x2048xi32>
    %slice3A_108 = vector.extract_strided_slice %add3A_43 {offsets = [0, 0], sizes = [64, 2048], strides = [1, 1]} : vector<128x2048xf32> to vector<64x2048xf32>
    %sqrt3A = math.sqrt %div3A : vector<1x2048xf32>
    %mul3A_109 = vector.broadcast %sqrt3A : vector<1x2048xf32> to vector<64x2048xf32>
    %mul3A_110 = arith.mulf %slice3A_108, %mul3A_109 : vector<64x2048xf32>
    %broadcast_in_dim3A_111 = vector.shape_cast %add3A_58 : vector<1x2048xf32> to vector<1x2048xf32>
    %broadcast_in_dim3A_112 = vector.broadcast %broadcast_in_dim3A_111 : vector<1x2048xf32> to vector<64x2048xf32>
    %select_n3A = arith.select %eq3A_107, %broadcast_in_dim3A_112, %mul3A_110 : vector<64x2048xi1>, vector<64x2048xf32>
    %eq3A_113 = arith.constant 0 : i32
    %eq3A_114 = vector.broadcast %eq3A_113 : i32 to vector<64x2048xi32>
    %eq3A_115 = arith.cmpi eq, %iota3A, %eq3A_114 : vector<64x2048xi32>
    %slice3A_116 = vector.extract_strided_slice %add3A_43 {offsets = [64, 0], sizes = [64, 2048], strides = [1, 1]} : vector<128x2048xf32> to vector<64x2048xf32>
    %sqrt3A_117 = math.sqrt %div3A_105 : vector<1x2048xf32>
    %mul3A_118 = vector.broadcast %sqrt3A_117 : vector<1x2048xf32> to vector<64x2048xf32>
    %mul3A_119 = arith.mulf %slice3A_116, %mul3A_118 : vector<64x2048xf32>
    %broadcast_in_dim3A_120 = vector.shape_cast %add3A_70 : vector<1x2048xf32> to vector<1x2048xf32>
    %broadcast_in_dim3A_121 = vector.broadcast %broadcast_in_dim3A_120 : vector<1x2048xf32> to vector<64x2048xf32>
    %select_n3A_122 = arith.select %eq3A_115, %broadcast_in_dim3A_121, %mul3A_119 : vector<64x2048xi1>, vector<64x2048xf32>
    %slice3A_123 = vector.extract_strided_slice %select_n3A {offsets = [0, 0], sizes = [63, 2048], strides = [1, 1]} : vector<64x2048xf32> to vector<63x2048xf32>
    %slice3A_124 = vector.extract_strided_slice %select_n3A_122 {offsets = [0, 0], sizes = [63, 2048], strides = [1, 1]} : vector<64x2048xf32> to vector<63x2048xf32>
    %concatenate3A_125 = tpu.concatenate %slice3A_123, %slice3A_124 in 1 : vector<63x2048xf32>, vector<63x2048xf32> -> vector<63x4096xf32>
    %reshape3A_126 = vector.shape_cast %concatenate3A_125 : vector<63x4096xf32> to vector<1x63x4096xf32>
    %swap3A = arith.constant 0 : index
    %swap3A_127 = arith.constant 0 : index
    %swap3A_128 = arith.constant 0 : index
    %swap3A_129 = vector.load %arg6[%swap3A, %swap3A_127, %swap3A_128] : memref<1x63x4096xf32, #tpu.memory_space<vmem>>, vector<1x63x4096xf32>
    tpu.vector_store %arg6[%swap3A, %swap3A_127, %swap3A_128], %reshape3A_126 {strides = array<i32>} : memref<1x63x4096xf32, #tpu.memory_space<vmem>>, vector<1x63x4096xf32>,
    return
  }
  func.func @transform_0(%arg0: i32) -> (i32, i32) {
    %c0_i32 = arith.constant 0 : i32
    %c0_i32_0 = arith.constant 0 : i32
    return %arg0, %c0_i32 : i32, i32
  }
  func.func @transform_1(%arg0: i32) -> (i32, i32, i32) {
    %c0_i32 = arith.constant 0 : i32
    %c0_i32_0 = arith.constant 0 : i32
    %c0_i32_1 = arith.constant 0 : i32
    return %arg0, %c0_i32, %c0_i32_0 : i32, i32, i32
  }
  func.func @transform_2(%arg0: i32) -> (i32, i32) {
    %c0_i32 = arith.constant 0 : i32
    %c0_i32_0 = arith.constant 0 : i32
    %c0_i32_1 = arith.constant 0 : i32
    return %c0_i32, %c0_i32_0 : i32, i32
  }
  func.func @transform_3(%arg0: i32) -> (i32, i32) {
    %c0_i32 = arith.constant 0 : i32
    %c0_i32_0 = arith.constant 0 : i32
    %c0_i32_1 = arith.constant 0 : i32
    return %c0_i32, %c0_i32_0 : i32, i32
  }
  func.func @transform_4(%arg0: i32) -> (i32, i32) {
    %c0_i32 = arith.constant 0 : i32
    %c0_i32_0 = arith.constant 0 : i32
    %c0_i32_1 = arith.constant 0 : i32
    return %c0_i32, %c0_i32_0 : i32, i32
  }
  func.func @transform_5(%arg0: i32) -> (i32, i32, i32) {
    %c0_i32 = arith.constant 0 : i32
    %c0_i32_0 = arith.constant 0 : i32
    %c0_i32_1 = arith.constant 0 : i32
    return %arg0, %c0_i32, %c0_i32_0 : i32, i32, i32
  }
}

</mosaic_0001>

<sc_bundles>
// kernel: gather_offload_async_start
scs
__scs_entry_jumppad:
0x0: {  	(pc) =	sbr.rel $0x88, $3  }
0x1: {  	(tag) =	ssettag $0x0;
	lr =	simm.s32 $0x1  }
0x2: {  	[smem:$0x3F9A] =	sst lr;
	_ =	strace $0xD0000000  }
0x3: {  	_ = 	snop  }
0x4: {  	_ = 	snop  }
0x5: {  	_ = 	snop  }
0x6: {  	_ = 	snop  }
0x7: {  	_ = 	snop  }
__scs_overlays_trampoline_lowered:
0x8: {  	[smem:$0x3FA9] =	sst s0  }
0x9: {  	[smem:$0x3FAA] =	sst s1  }
0xa: {  	[smem:$0x3FAB] =	sst s2  }
0xb: {  	[smem:$0x3FAC] =	sst s3  }
0xc: {  	[smem:$0x3FAD] =	sst s4  }
0xd: {  	[smem:$0x3FAE] =	sst s5  }
0xe: {  	[smem:$0x3FAF] =	sst s6  }
0xf: {  	[smem:$0x3FB0] =	sst s7  }
0x10: {  	[smem:$0x3FB1] =	sst s8  }
0x11: {  	[smem:$0x3FB2] =	sst s9;
	s0 =	simm.s32 @!p0 $0x0  }
0x12: {  	s1 =	sld [smem:$0x3F98];
	s0 =	simm.s32 @p0 $0x1  }
0x13: {  	[smem:$0x3FB3] =	sst s0;
	s0 =	simm.s32 @!p1 $0x0  }
0x14: {  	s2 =	sld [smem:$0x3F97];
	s0 =	simm.s32 @p1 $0x1  }
0x15: {  	[smem:$0x3FB4] =	sst s0;
	s0 =	simm.s32 @!p2 $0x0  }
0x16: {  	s3 =	sld [smem:$0x3FDB];
	s0 =	simm.s32 @p2 $0x1  }
0x17: {  	s4 =	simm.s32 $0x1BF5;
	[smem:$0x3FB6] =	sst s0  }
0x18: {  	s0 =	sld [smem:$0x3F99];
	_ =	swait.ge [sflag:s4], $0x0  }
0x19: {  	s7 =	sld [smem:$0x3F9A]  }
0x1a: {  	s8 =	sadd.s32 $0xFFFFE003, lr  }
0x1b: {  	s9 =	sadd.s32 $0xFFFFFEF7, lr;
	s5 =	simm.s32 $0xFFFFFFFF;
	p2 =	slt.u32 s8, $0xFFFFF086  }
0x1c: {  	p1 =	slt.u32 s9, $0xF7A;
	s5 =	simm.s32 @!p2 $0x0  }
0x1d: {  	s5 =	simm.s32 @p1 $0x1;
	p0 =	seq.s32 s7, s2  }
0x1e: {  	s7 =	smul.u32 @!p0 $0xF7A, s2;
	p2 =	seq.s32 @!p0 s5, $0x0  }
0x1f: {  	s9 =	smul.u32 $0xF7A, s1;
	s8 =	simm.s32 @!p0 $0x1BF5;
	p2 =	por !p2, p0  }
0x20: {  	[sflag:s8] =	ssyncset.s32 @!p0 $0xFFFFF086;
	s6 =	sadd.s32 @!p0 s3, s7;
	s7 =	simm.s32 @!p0 $0x108  }
0x21: {  	s3 =	sadd.s32 s3, s9;
	s6 =	sadd.s32 @!p0 $0x88, s6;
	s7 =	simm.s32 @p2 $0x1082  }
0x22: {  	[simem:s7], [sflag:s8] =	dma.local @!p0 [hbm:s6], $0xF7A  }
0x23: {  	s9 =	sor.u32 $0xD0000000, s2;
	s6 =	simm.s32 $0x108;
	_ =	swait.ge @!p0 [sflag:s8], $0x0  }
0x24: {  	s3 =	sadd.s32 $0x88, s3;
	s6 =	simm.s32 @!p1 $0x1082;
	[sflag:s4] =	ssyncset.s32 $0xFFFFF086  }
0x25: {  	[simem:s6], [sflag:s4] =	dma.local [hbm:s3], $0xF7A  }
0x26: {  	[smem:$0x3F9A] =	sst s1;
	(tag) =	ssettag s2;
	_ =	strace s9  }
0x27: {  	s1 =	sld [smem:$0x3FAA]  }
0x28: {  	s2 =	sld [smem:$0x3FAB]  }
0x29: {  	s4 =	sld [smem:$0x3FAD]  }
0x2a: {  	p0 =	seq.s32 s5, $0x0;
	s5 =	sld [smem:$0x3FAE]  }
0x2b: {  	s6 =	sld [smem:$0x3FAF]  }
0x2c: {  	s7 =	sld [smem:$0x3FB0]  }
0x2d: {  	s3 =	simm.s32 $0x108;
	s8 =	sld [smem:$0x3FB1]  }
0x2e: {  	s3 =	simm.s32 @!p0 $0x1082;
	s9 =	sld [smem:$0x3FB2]  }
0x2f: {  	lr =	sadd.s32 s0, s3;
	s0 =	sld [smem:$0x3FA9]  }
0x30: {  	s3 =	sld [smem:$0x3FAC]  }
0x31: {  	[smem:$0x3FB5] =	sst s10  }
0x32: {  	s10 =	sld [smem:$0x3FB3];
	_ =	sdelay $0x3  }
0x33: {  	p0 =	seq.s32 s10, $0x1;
	s10 =	sld [smem:$0x3FB5];
	_ =	sdelay $0x3  }
0x34: {  	[smem:$0x3FB5] =	sst s10  }
0x35: {  	s10 =	sld [smem:$0x3FB4];
	_ =	sdelay $0x3  }
0x36: {  	p1 =	seq.s32 s10, $0x1;
	s10 =	sld [smem:$0x3FB5];
	_ =	sdelay $0x3  }
0x37: {  	[smem:$0x3FB5] =	sst s10  }
0x38: {  	s10 =	sld [smem:$0x3FB6]  }
0x39: {  	_ = 	snop;
	(pc) =	sbr.ind lr, $3  }
0x3a: {  	_ = 	snop  }
0x3b: {  	_ = 	snop  }
0x3c: {  	p2 =	seq.s32 s10, $0x1;
	s10 =	sld [smem:$0x3FB5]  }
0x3d: {  	_ =	shalt  }
0x3e: {  	_ =	shalt  }
0x3f: {  	_ =	shalt  }
0x40: {  	_ =	shalt  }
0x41: {  	_ =	shalt  }
0x42: {  	_ =	shalt  }
0x43: {  	_ =	shalt  }
0x44: {  	_ =	shalt  }
0x45: {  	_ =	shalt  }
0x46: {  	_ =	shalt  }
0x47: {  	_ =	shalt  }
0x48: {  	_ =	shalt  }
0x49: {  	_ =	shalt  }
0x4a: {  	_ =	shalt  }
0x4b: {  	_ =	shalt  }
0x4c: {  	_ =	shalt  }
0x4d: {  	_ =	shalt  }
0x4e: {  	_ =	shalt  }
0x4f: {  	_ =	shalt  }
0x50: {  	_ =	shalt  }
0x51: {  	_ =	shalt  }
0x52: {  	_ =	shalt  }
0x53: {  	_ =	shalt  }
0x54: {  	_ =	shalt  }
0x55: {  	_ =	shalt  }
0x56: {  	_ =	shalt  }
0x57: {  	_ =	shalt  }
0x58: {  	_ =	shalt  }
0x59: {  	_ =	shalt  }
0x5a: {  	_ =	shalt  }
0x5b: {  	_ =	shalt  }
0x5c: {  	_ =	shalt  }
0x5d: {  	_ =	shalt  }
0x5e: {  	_ =	shalt  }
0x5f: {  	_ =	shalt  }
0x60: {  	_ =	shalt  }
0x61: {  	_ =	shalt  }
0x62: {  	_ =	shalt  }
0x63: {  	_ =	shalt  }
0x64: {  	_ =	shalt  }
0x65: {  	_ =	shalt  }
0x66: {  	_ =	shalt  }
0x67: {  	_ =	shalt  }
0x68: {  	_ =	shalt  }
0x69: {  	_ =	shalt  }
0x6a: {  	_ =	shalt  }
0x6b: {  	_ =	shalt  }
0x6c: {  	_ =	shalt  }
0x6d: {  	_ =	shalt  }
0x6e: {  	_ =	shalt  }
0x6f: {  	_ =	shalt  }
0x70: {  	_ =	shalt  }
0x71: {  	_ =	shalt  }
0x72: {  	_ =	shalt  }
0x73: {  	_ =	shalt  }
0x74: {  	_ =	shalt  }
0x75: {  	_ =	shalt  }
0x76: {  	_ =	shalt  }
0x77: {  	_ =	shalt  }
0x78: {  	_ =	shalt  }
0x79: {  	_ =	shalt  }
0x7a: {  	_ =	shalt  }
0x7b: {  	_ =	shalt  }
0x7c: {  	_ =	shalt  }
0x7d: {  	_ =	shalt  }
0x7e: {  	_ =	shalt  }
0x7f: {  	_ =	shalt  }
0x80: {  	_ =	shalt  }
0x81: {  	_ =	shalt  }
0x82: {  	_ =	shalt  }
0x83: {  	_ =	shalt  }
0x84: {  	_ =	shalt  }
0x85: {  	_ =	shalt  }
0x86: {  	_ =	shalt  }
0x87: {  	_ =	shalt  }
.Lfunc_end0:
.L_simem_size_0:
called_computation_lowered:
.L_overlay_start_0:
0x88: {  	s2 =	sld [smem:$0x3FD9]  }
0x89: {  	s3 =	sld [smem:$0x3FFE];
	_ =	sdelay $0x1  }
0x8a: {  	s1 =	srdreg.scid  }
0x8b: {  	s0 =	sand.u32 $0x1, s1  }
0x8c: {  	s17 =	sshll.u32 s0, $0xA;
	s2 =	sadd.s32 s3, s2  }
0x8d: {  	s2 =	sadd.s32 s2, s17  }
0x8e: {  	[smem:$0x3FC1] =	sst s2  }
0x8f: {  	_ = 	snop  }
0x90: {  	s2 =	sld [smem:$0x3FD0];
	(tm) =	ssettm $0x1  }
0x91: {  	s18 =	sld [smem:$0x3FFB];
	_ =	sdelay $0x3  }
0x92: {  	_ =	strace s18  }
0x93: {  	s3 =	sld [smem:$0x3FFC];
	_ =	sdelay $0x3  }
0x94: {  	_ =	strace s3  }
0x95: {  	s3 =	sld [smem:$0x3FFD];
	_ =	sdelay $0x3  }
0x96: {  	_ =	strace s3  }
0x97: {  	_ =	strace $0x8FFFFFFF  }
0x98: {  	s19 =	sld [smem:$0x3FDB];
	_ =	sdelay $0x1  }
0x99: {  	s4 =	simm.s32 $_scs_section_size  }
0x9a: {  	s5 =	simm.s32 $_size__tile_overlayer_lowered;
	s6 =	simm.s32 $_tile_overlayer_lowered  }
0x9b: {  	s22 =	simm.s32 $0x1BFF;
	s21 =	sshll.u32 s6, $0x1;
	s3 =	sadd.s32 s4, s19  }
0x9c: {  	s7 =	simm.s32 $0x0;
	s20 =	sshll.u32 s5, $0x1;
	s5 =	sadd.s32 s21, s3  }
0x9d: {  	[timem:s7], [sflag:s22] =	dma.local [hbm:s5], s20  }
0x9e: {  	_ =	swait.ge [sflag:s22], s20  }
0x9f: {  	s4 =	ssub.s32 $0x0, s20;
	[sflag:s22] =	ssyncset.done $0x0  }
0xa0: {  	[sflag:s22] =	ssyncadd.s32 s4;
	_ =	sdelay $0x1  }
0xa1: {  	s23 =	simm.s32 $0x1B8B  }
0xa2: {  	_ =	swait.ge [sflag:s23], $0x1  }
0xa3: {  	[sflag:s23] =	ssyncset.done $0x0  }
0xa4: {  	s25 =	simm.s32 $0x1B8E;
	s24 =	sld [smem:$0x3FFE];
	[sflag:s23] =	ssyncadd.s32 $0xFFFFFFFF  }
0xa5: {  	s26 =	simm.s32 $execute0_lowered;
	[smem:$0x3FD2] =	sst s25  }
0xa6: {  	s5 =	sshll.u32 s26, $0x1;
	_ =	strace $0x80000046;
	[dreg:$0x1] =	wrdreg $0xFFFFFFFF  }
0xa7: {  	s28 =	simm.s32 $_size_execute0_lowered;
	s3 =	sadd.s32 s3, s5;
	[dreg:$0x0] =	wrdreg $0x0  }
0xa8: {  	s5 =	sshll.u32 s28, $0x1;
	[dreg:$0x2] =	wrdreg s3  }
0xa9: {  	[dreg:$0x3] =	wrdreg s5  }
0xaa: {  	[dreg:$0x4] =	wrdreg $0xC0  }
0xab: {  	_ =	task [dreg:s7], $0x5FFFF  }
0xac: {  	[dreg:$0x1] =	wrdreg $0xFFFFFFFF  }
0xad: {  	[dreg:$0x0] =	wrdreg $0x60  }
0xae: {  	[dreg:$0x2] =	wrdreg s2  }
0xaf: {  	[dreg:$0x3] =	wrdreg s24  }
0xb0: {  	[dreg:$0x4] =	wrdreg $0x9  }
0xb1: {  	_ =	task.clear_ibuf [dreg:s7], $0x5FFFF;
	_ =	strace $0x90000046  }
0xb2: {  	s29 =	simm.s32 $0x9;
	_ =	strace $0x80000048  }
0xb3: {  	_ =	swait.ge [sflag:s29], $0x1  }
0xb4: {  	[sflag:s29] =	ssyncadd.s32 $0xFFFFFFFF  }
0xb5: {  	_ =	strace $0x90000048  }
0xb6: {  	_ =	sfence  }
0xb7: {  	s30 =	sld [smem:$0x0];
	_ =	sdelay $0x2  }
0xb8: {  	s31 =	sshll.u32 s1, $0xD;
	s1 =	sshrl.u32 s1, $0x2  }
0xb9: {  	s3 =	sand.u32 $0x4000, s31;
	s1 =	sadd.s32 s1, s30  }
0xba: {  	s0 =	sor.u32 s3, s0;
	s1 =	sshll.u32 s1, $0x11  }
0xbb: {  	s0 =	sor.u32 s1, s0  }
0xbc: {  	s0 =	sadd.s32 $0x8F2B, s0  }
0xbd: {  	[sflag:s0] =	ssyncadd.remote.s32 $0x1  }
0xbe: {  	_ =	sfence.sel $0xFFFF  }
0xbf: {  	[dreg:$0x0] =	wrdreg $0xFFFFFFFF;
	(pc) =	sbr.abs _section_cstart, $3  }
0xc0: {  	[dreg:$0x1] =	wrdreg $0xFFFFFFFF  }
0xc1: {  	_ =	task.clear_ibuf [dreg:s7], $0x2FFFF;
	_ =	strace $0x9FFFFFFF  }
0xc2: {  	(tm) =	ssettm $0x7FFFFFFF  }
0xc3: {  	_ =	shalt  }
tec
execute0_lowered:
.L_overlay_start_1:
0x0: {  	(tag) =	ssettag $0x1  }
0x1: {  	s2 =	rddreg [dreg:$0x0]  }
0x2: {  	s7 =	rddreg [dreg:$0x1]  }
0x3: {  	s0 =	rddreg [dreg:$0x2]  }
0x4: {  	s1 =	srdreg.scid;
	_ =	strace $0x80000047;
	s4 =	simm.s32 $0x1  }
0x5: {  	s9 =	simm.s32 $0x3;
	s12 =	simm.s32 $0x0;
	s5 =	sshll.u32 s1, $0x4  }
.Ltmp0:
0x6: {  	s1 =	stileid.u32;
	s5 =	sand.u32 $0x10, s5;
	(pc) =	sbr.rel .LBB2_1-.Ltmp0, $4  }
0x7: {  	s10 =	simm.s32 $0x0;
	s3 =	sadd.s32 $0x1000, s7;
	s6 =	sor.u32 s1, s5  }
0x8: {  	[sflag:s4] =	ssyncpa.u1 $0x0;
	s5 =	simm.s32 $0x2;
	s6 =	sshll.u32 s6, $0x7  }
0x9: {  	s7 =	sadd.s32 $0x1200, s7;
	[sflag:s5] =	ssyncpa.u1 $0x0;
	s8 =	sadd.s32 $0x80, s6  }
0xa: {  	vm0 =	vmmov $0xff;
	vm1 =	vcmask $0x3F20;
	[sflag:s9] =	ssyncpa.u1 $0x0;
	s9 =	simm.s32 $0x80;
	s11 =	smov.u32 s6  }
.LBB2_9:
0xb: {  	p0 =	seq.s32 s10, $0x2  }
.Ltmp1:
0xc: {  	_ = 	snop;
	(pc) =	sbr.rel @p0 .LBB2_11-.Ltmp1, $1  }
0xd: {  	_ =	sdelay $0x3  }
.LBB2_10:
0xe: {  	s12 =	sadd.s32 $0x80, s11  }
0xf: {  	s13 =	smov.u32 s6;
	p0 =	slt.s32 s12, s8  }
0x10: {  	s13 =	smov.u32 @p0 s12  }
0x11: {  	s10 =	sadd.s32 $0x1, s10;
	s12 =	smov.u32 s11;
	s11 =	smov.u32 s13  }
.LBB2_1:
0x12: {  	p0 =	sne.s32 s10, $0x0  }
.Ltmp2:
0x13: {  	_ = 	snop;
	(pc) =	sbr.rel @!p0 .LBB2_2-.Ltmp2, $1  }
0x14: {  	_ =	sdelay $0x3  }
0x15: {  	s13 =	sand.u32 $0x1, s10  }
0x16: {  	p0 =	seq.s32 s13, $0x0  }
.Ltmp3:
0x17: {  	_ = 	snop;
	(pc) =	sbr.rel @p0 .LBB2_9-.Ltmp3, $1  }
0x18: {  	_ =	sdelay $0x3  }
0x19: {  	_ =	swait.ge [sflag:s5], $0x80  }
0x1a: {  	[sflag:s5] =	ssyncset.done $0x0  }
0x1b: {  	s13 =	simm.s32 $0x0;
	[sflag:s5] =	ssyncadd.s32 $0xFFFFFF80  }
0x1c: {  	v0 =	vld.msk [tilespmem:s13+$0x80 ss:$0x1], $0xffff;
	_ =	sdelay $0x4  }
0x1d: {  	vm2 =	vgt.s32 v0, $0x0  }
0x1e: {  	v0 =	vnsel vm2, $0x0, v0  }
0x1f: {  	v0 =	vmin.u32 v0, $0xFFF  }
0x20: {  	v0 =	vshll.u32 v0, $0x4;
	_ =	sdelay $0x3  }
0x21: {  	s13 =	simm.s32 $0x4100  }
0x22: {  	[tilespmem:s13], [sflag:$0x1] =	stream.indirect_vreg.gather [hbm:s2], $0x80, v0, vm0, $0x38;
	[tilespmem:$0x8100] =	vst v63  }
0x23: {  	s14 =	simm.s32 $0x4500;
	s31 =	simm.s32 $0x10  }
0x24: {  	[tilespmem:s14], [sflag:$0x1] =	stream.indirect_vreg.gather [hbm:s2], $0x80, v0, vm1, $0x38;
	[tilespmem:$0x8100] =	vst v63  }
0x25: {  	s14 =	simm.s32 $0x80;
	v0 =	vld.msk [tilespmem:s31+$0x80 ss:$0x1], $0xffff  }
.LBB2_5:
0x26: {  	p0 =	sne.s32 s14, $0x1C0;
	_ =	sdelay $0x4  }
0x27: {  	vm2 =	vgt.s32 v0, $0x0  }
0x28: {  	v0 =	vnsel vm2, $0x0, v0  }
0x29: {  	v0 =	vmin.u32 v0, $0xFFF  }
0x2a: {  	v0 =	vshll.u32 v0, $0x4;
	_ =	sdelay $0x3  }
.Ltmp4:
0x2b: {  	s13 =	sadd.s32 $0x800, s13;
	(pc) =	sbr.rel @p0 .LBB2_5-.Ltmp4, $4  }
0x2c: {  	[tilespmem:s13], [sflag:$0x1] =	stream.indirect_vreg.gather [hbm:s2], $0x80, v0, vm0, $0x38;
	[tilespmem:$0x8100] =	vst v63  }
0x2d: {  	s15 =	sshra.s32 s14, $0x2;
	s16 =	sadd.s32 $0x400, s13  }
0x2e: {  	[tilespmem:s16], [sflag:$0x1] =	stream.indirect_vreg.gather [hbm:s2], $0x80, v0, vm1, $0x38;
	[tilespmem:$0x8100] =	vst v63  }
0x2f: {  	s14 =	sadd.s32 $0x40, s14;
	v0 =	vld.msk [tilespmem:s15+$0x80 ss:$0x1], $0xffff  }
0x30: {  	_ =	sdelay $0x3  }
0x31: {  	vm2 =	vgt.s32 v0, $0x0  }
0x32: {  	v0 =	vnsel vm2, $0x0, v0  }
0x33: {  	v0 =	vmin.u32 v0, $0xFFF  }
0x34: {  	v0 =	vshll.u32 v0, $0x4;
	_ =	sdelay $0x3  }
0x35: {  	s13 =	sadd.s32 $0x800, s13  }
0x36: {  	[tilespmem:s13], [sflag:$0x1] =	stream.indirect_vreg.gather [hbm:s2], $0x80, v0, vm0, $0x38;
	[tilespmem:$0x8100] =	vst v63  }
0x37: {  	s13 =	sadd.s32 $0x400, s13  }
0x38: {  	[tilespmem:s13], [sflag:$0x1] =	stream.indirect_vreg.gather [hbm:s2], $0x80, v0, vm1, $0x38;
	[tilespmem:$0x8100] =	vst v63  }
0x39: {  	s12 =	sshll.u32 s12, $0x4;
	s14 =	simm.s32 $0x80;
	_ =	swait.ge [sflag:s4], $0x4000  }
0x3a: {  	s15 =	simm.s32 $0x4500;
	s12 =	sadd.s32 s12, s7;
	[sflag:s4] =	ssyncset.done $0x0  }
0x3b: {  	s16 =	sadd.s32 $0x0, s12;
	s13 =	simm.s32 $0x4100;
	[sflag:s4] =	ssyncadd.s32 $0xFFFFC000  }
.LBB2_7:
0x3c: {  	[hbm:s16] =	stream.linear.scatter [tilespmem:s13], [sflag:$0x3], $0x400, $0x38;
	[tilespmem:$0x8100] =	vst v63  }
0x3d: {  	s16 =	smov.u32 s14;
	s13 =	smov.u32 s15;
	p0 =	sne.s32 s14, $0x780  }
.Ltmp5:
0x3e: {  	s14 =	sadd.s32 $0x80, s14;
	(pc) =	sbr.rel @p0 .LBB2_7-.Ltmp5, $2  }
0x3f: {  	_ =	sdelay $0x2  }
0x40: {  	s15 =	sadd.s32 $0x400, s15;
	s16 =	sadd.s32 s16, s12  }
.Ltmp6:
0x41: {  	(pc) =	sbr.rel .LBB2_9-.Ltmp6, $2  }
0x42: {  	_ =	sdelay $0x2  }
0x43: {  	[hbm:s16] =	stream.linear.scatter [tilespmem:s13], [sflag:$0x3], $0x400, $0x38;
	[tilespmem:$0x8100] =	vst v63  }
.LBB2_2:
.Ltmp7:
0x44: {  	(pc) =	sbr.rel .LBB2_10-.Ltmp7, $4  }
0x45: {  	_ = 	snop  }
0x46: {  	s12 =	sshrl.u32 s11, $0x3  }
0x47: {  	s13 =	sand.u32 $0x7, s11;
	s12 =	sadd.s32 s3, s12  }
0x48: {  	[tilespmem:s9], [sflag:$0x2] =	stream.linear.gather [hbm4b:s12+s13], $0x80, $0x38;
	[tilespmem:$0x8100] =	vst v63  }
.LBB2_11:
0x49: {  	s2 =	simm.s32 $0x3  }
0x4a: {  	_ =	swait.ge [sflag:s2], $0x4000  }
0x4b: {  	[sflag:s2] =	ssyncset.done $0x0  }
0x4c: {  	[sflag:s2] =	ssyncadd.s32 $0xFFFFC000  }
0x4d: {  	_ =	sfence.sel $0x180000  }
0x4e: {  	s3 =	simm.s32 $0x2;
	[bflag:$0x0] =	sbarrier.arrive $0xFFFF  }
0x4f: {  	[sflag:s3] =	ssyncpa.u1 $0x1  }
0x50: {  	s31 =	simm.s32 $0x1;
	[sflag:s2] =	ssyncpa.u1 $0x1  }
0x51: {  	[sflag:s31] =	ssyncpa.u1 $0x1  }
0x52: {  	p0 =	sne.s32 s1, $0x0;
	_ =	strace $0x90000047  }
0x53: {  	s0 =	sadd.s32 @!p0 $0x100000, s0;
	[bflag:$0x2] =	sbarrier.arrive $0xFFFF  }
0x54: {  	[sflag:s0] =	ssyncadd.tile.s32 @!p0 $0x1;
	_ =	shalt  }
.Lfunc_end2:
_tile_overlayer_lowered:
.L_overlay_start_2:
0x55: {  	(tag) =	ssettag $0x2  }
0x56: {  	s0 =	rddreg [dreg:$0x0];
	s2 =	stileid.u32  }
0x57: {  	s1 =	rddreg [dreg:$0x1];
	p0 =	sne.s32 s2, $0x0  }
0x58: {  	s3 =	rddreg [dreg:$0x2];
	[bflag:$0x3] =	sbarrier.arrive $0xFFFF;
	s2 =	simm.s32 @!p0 $0x1C01  }
0x59: {  	[timem:s3], [sflag:s2] =	dma.local @!p0 [hbm:s0], s1  }
0x5a: {  	s0 =	simm.s32 @!p0 $0x1  }
0x5b: {  	_ =	swait.ge @!p0 [sflag:s0], s1  }
0x5c: {  	s1 =	ssub.s32 @!p0 $0x0, s1;
	[sflag:s0] =	ssyncset.done @!p0 $0x0  }
0x5d: {  	[sflag:s0] =	ssyncadd.s32 @!p0 s1  }
0x5e: {  	[bflag:$0x3] =	sbarrier.arrive $0xFFFF  }
0x5f: {  	_ =	shalt  }

// kernel: kernel.5.cloned.1.call-start
scs
__scs_entry_jumppad:
0x0: {  	(pc) =	sbr.rel $0x88, $3  }
0x1: {  	(tag) =	ssettag $0x0;
	lr =	simm.s32 $0x1  }
0x2: {  	[smem:$0x3F9A] =	sst lr;
	_ =	strace $0xD0000000  }
0x3: {  	_ = 	snop  }
0x4: {  	_ = 	snop  }
0x5: {  	_ = 	snop  }
0x6: {  	_ = 	snop  }
0x7: {  	_ = 	snop  }
__scs_overlays_trampoline_lowered:
0x8: {  	[smem:$0x3FA9] =	sst s0  }
0x9: {  	[smem:$0x3FAA] =	sst s1  }
0xa: {  	[smem:$0x3FAB] =	sst s2  }
0xb: {  	[smem:$0x3FAC] =	sst s3  }
0xc: {  	[smem:$0x3FAD] =	sst s4  }
0xd: {  	[smem:$0x3FAE] =	sst s5  }
0xe: {  	[smem:$0x3FAF] =	sst s6  }
0xf: {  	[smem:$0x3FB0] =	sst s7  }
0x10: {  	[smem:$0x3FB1] =	sst s8  }
0x11: {  	[smem:$0x3FB2] =	sst s9;
	s0 =	simm.s32 @!p0 $0x0  }
0x12: {  	s1 =	sld [smem:$0x3F98];
	s0 =	simm.s32 @p0 $0x1  }
0x13: {  	[smem:$0x3FB3] =	sst s0;
	s0 =	simm.s32 @!p1 $0x0  }
0x14: {  	s2 =	sld [smem:$0x3F97];
	s0 =	simm.s32 @p1 $0x1  }
0x15: {  	[smem:$0x3FB4] =	sst s0;
	s0 =	simm.s32 @!p2 $0x0  }
0x16: {  	s3 =	sld [smem:$0x3FDB];
	s0 =	simm.s32 @p2 $0x1  }
0x17: {  	s4 =	simm.s32 $0x1BF5;
	[smem:$0x3FB6] =	sst s0  }
0x18: {  	s0 =	sld [smem:$0x3F99];
	_ =	swait.ge [sflag:s4], $0x0  }
0x19: {  	s7 =	sld [smem:$0x3F9A]  }
0x1a: {  	s8 =	sadd.s32 $0xFFFFE003, lr  }
0x1b: {  	s9 =	sadd.s32 $0xFFFFFEF7, lr;
	s5 =	simm.s32 $0xFFFFFFFF;
	p2 =	slt.u32 s8, $0xFFFFF086  }
0x1c: {  	p1 =	slt.u32 s9, $0xF7A;
	s5 =	simm.s32 @!p2 $0x0  }
0x1d: {  	s5 =	simm.s32 @p1 $0x1;
	p0 =	seq.s32 s7, s2  }
0x1e: {  	s7 =	smul.u32 @!p0 $0xF7A, s2;
	p2 =	seq.s32 @!p0 s5, $0x0  }
0x1f: {  	s9 =	smul.u32 $0xF7A, s1;
	s8 =	simm.s32 @!p0 $0x1BF5;
	p2 =	por !p2, p0  }
0x20: {  	[sflag:s8] =	ssyncset.s32 @!p0 $0xFFFFF086;
	s6 =	sadd.s32 @!p0 s3, s7;
	s7 =	simm.s32 @!p0 $0x108  }
0x21: {  	s3 =	sadd.s32 s3, s9;
	s6 =	sadd.s32 @!p0 $0x88, s6;
	s7 =	simm.s32 @p2 $0x1082  }
0x22: {  	[simem:s7], [sflag:s8] =	dma.local @!p0 [hbm:s6], $0xF7A  }
0x23: {  	s9 =	sor.u32 $0xD0000000, s2;
	s6 =	simm.s32 $0x108;
	_ =	swait.ge @!p0 [sflag:s8], $0x0  }
0x24: {  	s3 =	sadd.s32 $0x88, s3;
	s6 =	simm.s32 @!p1 $0x1082;
	[sflag:s4] =	ssyncset.s32 $0xFFFFF086  }
0x25: {  	[simem:s6], [sflag:s4] =	dma.local [hbm:s3], $0xF7A  }
0x26: {  	[smem:$0x3F9A] =	sst s1;
	(tag) =	ssettag s2;
	_ =	strace s9  }
0x27: {  	s1 =	sld [smem:$0x3FAA]  }
0x28: {  	s2 =	sld [smem:$0x3FAB]  }
0x29: {  	s4 =	sld [smem:$0x3FAD]  }
0x2a: {  	p0 =	seq.s32 s5, $0x0;
	s5 =	sld [smem:$0x3FAE]  }
0x2b: {  	s6 =	sld [smem:$0x3FAF]  }
0x2c: {  	s7 =	sld [smem:$0x3FB0]  }
0x2d: {  	s3 =	simm.s32 $0x108;
	s8 =	sld [smem:$0x3FB1]  }
0x2e: {  	s3 =	simm.s32 @!p0 $0x1082;
	s9 =	sld [smem:$0x3FB2]  }
0x2f: {  	lr =	sadd.s32 s0, s3;
	s0 =	sld [smem:$0x3FA9]  }
0x30: {  	s3 =	sld [smem:$0x3FAC]  }
0x31: {  	[smem:$0x3FB5] =	sst s10  }
0x32: {  	s10 =	sld [smem:$0x3FB3];
	_ =	sdelay $0x3  }
0x33: {  	p0 =	seq.s32 s10, $0x1;
	s10 =	sld [smem:$0x3FB5];
	_ =	sdelay $0x3  }
0x34: {  	[smem:$0x3FB5] =	sst s10  }
0x35: {  	s10 =	sld [smem:$0x3FB4];
	_ =	sdelay $0x3  }
0x36: {  	p1 =	seq.s32 s10, $0x1;
	s10 =	sld [smem:$0x3FB5];
	_ =	sdelay $0x3  }
0x37: {  	[smem:$0x3FB5] =	sst s10  }
0x38: {  	s10 =	sld [smem:$0x3FB6]  }
0x39: {  	_ = 	snop;
	(pc) =	sbr.ind lr, $3  }
0x3a: {  	_ = 	snop  }
0x3b: {  	_ = 	snop  }
0x3c: {  	p2 =	seq.s32 s10, $0x1;
	s10 =	sld [smem:$0x3FB5]  }
0x3d: {  	_ =	shalt  }
0x3e: {  	_ =	shalt  }
0x3f: {  	_ =	shalt  }
0x40: {  	_ =	shalt  }
0x41: {  	_ =	shalt  }
0x42: {  	_ =	shalt  }
0x43: {  	_ =	shalt  }
0x44: {  	_ =	shalt  }
0x45: {  	_ =	shalt  }
0x46: {  	_ =	shalt  }
0x47: {  	_ =	shalt  }
0x48: {  	_ =	shalt  }
0x49: {  	_ =	shalt  }
0x4a: {  	_ =	shalt  }
0x4b: {  	_ =	shalt  }
0x4c: {  	_ =	shalt  }
0x4d: {  	_ =	shalt  }
0x4e: {  	_ =	shalt  }
0x4f: {  	_ =	shalt  }
0x50: {  	_ =	shalt  }
0x51: {  	_ =	shalt  }
0x52: {  	_ =	shalt  }
0x53: {  	_ =	shalt  }
0x54: {  	_ =	shalt  }
0x55: {  	_ =	shalt  }
0x56: {  	_ =	shalt  }
0x57: {  	_ =	shalt  }
0x58: {  	_ =	shalt  }
0x59: {  	_ =	shalt  }
0x5a: {  	_ =	shalt  }
0x5b: {  	_ =	shalt  }
0x5c: {  	_ =	shalt  }
0x5d: {  	_ =	shalt  }
0x5e: {  	_ =	shalt  }
0x5f: {  	_ =	shalt  }
0x60: {  	_ =	shalt  }
0x61: {  	_ =	shalt  }
0x62: {  	_ =	shalt  }
0x63: {  	_ =	shalt  }
0x64: {  	_ =	shalt  }
0x65: {  	_ =	shalt  }
0x66: {  	_ =	shalt  }
0x67: {  	_ =	shalt  }
0x68: {  	_ =	shalt  }
0x69: {  	_ =	shalt  }
0x6a: {  	_ =	shalt  }
0x6b: {  	_ =	shalt  }
0x6c: {  	_ =	shalt  }
0x6d: {  	_ =	shalt  }
0x6e: {  	_ =	shalt  }
0x6f: {  	_ =	shalt  }
0x70: {  	_ =	shalt  }
0x71: {  	_ =	shalt  }
0x72: {  	_ =	shalt  }
0x73: {  	_ =	shalt  }
0x74: {  	_ =	shalt  }
0x75: {  	_ =	shalt  }
0x76: {  	_ =	shalt  }
0x77: {  	_ =	shalt  }
0x78: {  	_ =	shalt  }
0x79: {  	_ =	shalt  }
0x7a: {  	_ =	shalt  }
0x7b: {  	_ =	shalt  }
0x7c: {  	_ =	shalt  }
0x7d: {  	_ =	shalt  }
0x7e: {  	_ =	shalt  }
0x7f: {  	_ =	shalt  }
0x80: {  	_ =	shalt  }
0x81: {  	_ =	shalt  }
0x82: {  	_ =	shalt  }
0x83: {  	_ =	shalt  }
0x84: {  	_ =	shalt  }
0x85: {  	_ =	shalt  }
0x86: {  	_ =	shalt  }
0x87: {  	_ =	shalt  }
.Lfunc_end0:
.L_simem_size_0:
called_computation.1_lowered:
.L_overlay_start_0:
0x88: {  	s2 =	sld [smem:$0x3FD9]  }
0x89: {  	s3 =	sld [smem:$0x3FFE];
	_ =	sdelay $0x1  }
0x8a: {  	s1 =	srdreg.scid  }
0x8b: {  	s0 =	sand.u32 $0x1, s1  }
0x8c: {  	s17 =	sshll.u32 s0, $0xA;
	s2 =	sadd.s32 s3, s2  }
0x8d: {  	s2 =	sadd.s32 s2, s17  }
0x8e: {  	[smem:$0x3FC1] =	sst s2  }
0x8f: {  	_ = 	snop  }
0x90: {  	s2 =	sld [smem:$0x3FD0];
	(tm) =	ssettm $0x1  }
0x91: {  	s18 =	sld [smem:$0x3FFB];
	_ =	sdelay $0x3  }
0x92: {  	_ =	strace s18  }
0x93: {  	s3 =	sld [smem:$0x3FFC];
	_ =	sdelay $0x3  }
0x94: {  	_ =	strace s3  }
0x95: {  	s3 =	sld [smem:$0x3FFD];
	_ =	sdelay $0x3  }
0x96: {  	_ =	strace s3  }
0x97: {  	_ =	strace $0x8FFFFFFF  }
0x98: {  	s19 =	sld [smem:$0x3FDB];
	_ =	sdelay $0x1  }
0x99: {  	s4 =	simm.s32 $_scs_section_size  }
0x9a: {  	s5 =	simm.s32 $_size__tile_overlayer_lowered;
	s6 =	simm.s32 $_tile_overlayer_lowered  }
0x9b: {  	s22 =	simm.s32 $0x1BFF;
	s21 =	sshll.u32 s6, $0x1;
	s3 =	sadd.s32 s4, s19  }
0x9c: {  	s7 =	simm.s32 $0x0;
	s20 =	sshll.u32 s5, $0x1;
	s5 =	sadd.s32 s21, s3  }
0x9d: {  	[timem:s7], [sflag:s22] =	dma.local [hbm:s5], s20  }
0x9e: {  	_ =	swait.ge [sflag:s22], s20  }
0x9f: {  	s4 =	ssub.s32 $0x0, s20;
	[sflag:s22] =	ssyncset.done $0x0  }
0xa0: {  	[sflag:s22] =	ssyncadd.s32 s4;
	_ =	sdelay $0x1  }
0xa1: {  	s23 =	simm.s32 $0x1B8B  }
0xa2: {  	_ =	swait.ge [sflag:s23], $0x1  }
0xa3: {  	[sflag:s23] =	ssyncset.done $0x0  }
0xa4: {  	s25 =	simm.s32 $0x1B8E;
	s24 =	sld [smem:$0x3FFE];
	[sflag:s23] =	ssyncadd.s32 $0xFFFFFFFF  }
0xa5: {  	s26 =	simm.s32 $execute0_lowered;
	[smem:$0x3FD2] =	sst s25  }
0xa6: {  	s5 =	sshll.u32 s26, $0x1;
	_ =	strace $0x80000049;
	[dreg:$0x1] =	wrdreg $0xFFFFFFFF  }
0xa7: {  	s28 =	simm.s32 $_size_execute0_lowered;
	s3 =	sadd.s32 s3, s5;
	[dreg:$0x0] =	wrdreg $0x0  }
0xa8: {  	s5 =	sshll.u32 s28, $0x1;
	[dreg:$0x2] =	wrdreg s3  }
0xa9: {  	[dreg:$0x3] =	wrdreg s5  }
0xaa: {  	[dreg:$0x4] =	wrdreg $0xC0  }
0xab: {  	_ =	task [dreg:s7], $0x5FFFF  }
0xac: {  	[dreg:$0x1] =	wrdreg $0xFFFFFFFF  }
0xad: {  	[dreg:$0x0] =	wrdreg $0x60  }
0xae: {  	[dreg:$0x2] =	wrdreg s2  }
0xaf: {  	[dreg:$0x3] =	wrdreg s24  }
0xb0: {  	[dreg:$0x4] =	wrdreg $0x9  }
0xb1: {  	_ =	task.clear_ibuf [dreg:s7], $0x5FFFF;
	_ =	strace $0x90000049  }
0xb2: {  	s29 =	simm.s32 $0x9;
	_ =	strace $0x8000004B  }
0xb3: {  	_ =	swait.ge [sflag:s29], $0x1  }
0xb4: {  	[sflag:s29] =	ssyncadd.s32 $0xFFFFFFFF  }
0xb5: {  	_ =	strace $0x9000004B  }
0xb6: {  	_ =	sfence  }
0xb7: {  	s30 =	sld [smem:$0x0];
	_ =	sdelay $0x2  }
0xb8: {  	s31 =	sshll.u32 s1, $0xD;
	s1 =	sshrl.u32 s1, $0x2  }
0xb9: {  	s3 =	sand.u32 $0x4000, s31;
	s1 =	sadd.s32 s1, s30  }
0xba: {  	s0 =	sor.u32 s3, s0;
	s1 =	sshll.u32 s1, $0x11  }
0xbb: {  	s0 =	sor.u32 s1, s0  }
0xbc: {  	s0 =	sadd.s32 $0x8F2B, s0  }
0xbd: {  	[sflag:s0] =	ssyncadd.remote.s32 $0x1  }
0xbe: {  	_ =	sfence.sel $0xFFFF  }
0xbf: {  	[dreg:$0x0] =	wrdreg $0xFFFFFFFF;
	(pc) =	sbr.abs _section_cstart, $3  }
0xc0: {  	[dreg:$0x1] =	wrdreg $0xFFFFFFFF  }
0xc1: {  	_ =	task.clear_ibuf [dreg:s7], $0x2FFFF;
	_ =	strace $0x9FFFFFFF  }
0xc2: {  	(tm) =	ssettm $0x7FFFFFFF  }
0xc3: {  	_ =	shalt  }
tec
execute0_lowered:
.L_overlay_start_1:
0x0: {  	(tag) =	ssettag $0x1  }
0x1: {  	s0 =	srdreg.scid  }
0x2: {  	s10 =	stileid.u32;
	s1 =	rddreg [dreg:$0x0]  }
0x3: {  	s4 =	rddreg [dreg:$0x1];
	s11 =	simm.s32 $0xB;
	s12 =	simm.s32 $0x80  }
0x4: {  	s13 =	simm.s32 $0x1900;
	s14 =	simm.s32 $0x3900;
	s16 =	simm.s32 $0x5900  }
0x5: {  	s18 =	simm.s32 $0x7900;
	s20 =	simm.s32 $0x9900;
	s28 =	simm.s32 $0x7  }
0x6: {  	s29 =	simm.s32 $0x8;
	s30 =	simm.s32 $0x9;
	s6 =	smul.u32 $0x3200, s10  }
0x7: {  	s0 =	sand.u32 $0x1, s0;
	s2 =	sshll.u32 s10, $0x1;
	s23 =	smul.u32 $0x19000, s10  }
0x8: {  	s31 =	simm.s32 $0xA;
	s3 =	sor.u32 s0, s2;
	s8 =	smul.u32 $0x1900, s0  }
0x9: {  	s2 =	simm.s32 $0x0;
	s7 =	ssub.s32 $0x2, s0;
	s0 =	smul.u32 $0xC800, s0  }
0xa: {  	s9 =	sadd.s32 $0x7D1200, s4;
	s5 =	smul.u32 $0x1900, s3;
	[smem:$0x7FF] =	sst s2  }
0xb: {  	s3 =	sadd.s32 $0x11200, s4;
	s21 =	sshrl.u32 s7, $0x1;
	_ =	strace $0x8000004A  }
0xc: {  	s4 =	ssub.s32 s7, s21;
	s6 =	sadd.s32 s8, s6;
	s5 =	sshrl.u32 s5, $0x3  }
0xd: {  	s21 =	simm.s32 $0x1;
	s22 =	sshll.u32 s6, $0x3;
	s1 =	sadd.s32 s1, s5  }
0xe: {  	s4 =	smax.u32 s4, $0x1;
	[dreg:$0x3] =	wrdreg s1;
	s1 =	sadd.s32 s22, s9  }
0xf: {  	[dreg:$0x4] =	wrdreg s4;
	s5 =	sadd.s32 s23, s9;
	s24 =	sadd.s32 $0x1000, s1  }
.Ltmp0:
0x10: {  	s25 =	sadd.s32 $0xC00, s1;
	[dreg:$0x5] =	wrdreg s24;
	(pc) =	sbr.rel .LBB2_1-.Ltmp0, $4  }
0x11: {  	s23 =	simm.s32 $0x3;
	s26 =	sadd.s32 $0x800, s1;
	[dreg:$0x6] =	wrdreg s25  }
0x12: {  	s0 =	sadd.s32 s0, s5;
	s1 =	sadd.s32 $0x400, s1;
	[dreg:$0x7] =	wrdreg s26  }
0x13: {  	s22 =	simm.s32 $0x2;
	[dreg:$0x8] =	wrdreg s1;
	s24 =	simm.s32 $0x4  }
0x14: {  	s25 =	simm.s32 $0x5;
	s26 =	simm.s32 $0x6;
	s1 =	simm.s32 $0x0  }
.LBB2_4:
0x15: {  	_ =	swait.ge [sflag:s26], $0x2000  }
0x16: {  	[sflag:s26] =	ssyncset.done $0x0  }
0x17: {  	[sflag:s26] =	ssyncadd.s32 $0xFFFFE000  }
0x18: {  	_ =	swait.ge [sflag:s28], $0x2000  }
0x19: {  	[sflag:s28] =	ssyncset.done $0x0  }
0x1a: {  	[sflag:s28] =	ssyncadd.s32 $0xFFFFE000  }
0x1b: {  	_ =	swait.ge [sflag:s29], $0x2000  }
0x1c: {  	[sflag:s29] =	ssyncset.done $0x0  }
0x1d: {  	[sflag:s29] =	ssyncadd.s32 $0xFFFFE000  }
0x1e: {  	_ =	swait.ge [sflag:s30], $0x2000  }
0x1f: {  	[sflag:s30] =	ssyncset.done $0x0  }
0x20: {  	[sflag:s30] =	ssyncadd.s32 $0xFFFFE000  }
0x21: {  	_ =	swait.ge [sflag:s31], $0x2000  }
0x22: {  	s1 =	sadd.s32 $0x1, s1;
	s4 =	rddreg [dreg:$0x4]  }
0x23: {  	p0 =	sne.s32 s1, s4  }
.Ltmp1:
0x24: {  	_ = 	snop;
	(pc) =	sbr.rel @!p0 .LBB2_5-.Ltmp1, $3  }
0x25: {  	_ =	sdelay $0x1  }
0x26: {  	[sflag:s31] =	ssyncset.done $0x0  }
0x27: {  	[sflag:s31] =	ssyncadd.s32 $0xFFFFE000  }
.LBB2_1:
0x28: {  	s4 =	rddreg [dreg:$0x3]  }
0x29: {  	[tilespmem:s2], [sflag:$0xB] =	stream.linear.gather [hbm4b:s4+s2], $0x1900, $0x38;
	[tilespmem:$0xB900] =	vst v63  }
0x2a: {  	_ =	swait.ge [sflag:s11], $0x1900  }
0x2b: {  	[sflag:s11] =	ssyncset.done $0x0  }
0x2c: {  	[sflag:s11] =	ssyncadd.s32 $0xFFFFE700  }
0x2d: {  	[tilespmem:s13], [sflag:$0x1] =	stream.indirect.gather [hbm4b:s3+s12], $0x40, s2, s12, $0xb8;
	[tilespmem:$0xB900] =	vst v63  }
0x2e: {  	s9 =	rddreg [dreg:$0x8]  }
0x2f: {  	[tilespmem:s14], [sflag:$0x2] =	stream.indirect.gather [hbm4b:s3+s12], $0x40, s12, s12, $0xb8;
	[tilespmem:$0xB900] =	vst v63  }
0x30: {  	s15 =	simm.s32 $0x100;
	s8 =	rddreg [dreg:$0x7]  }
0x31: {  	[tilespmem:s16], [sflag:$0x3] =	stream.indirect.gather [hbm4b:s3+s12], $0x40, s15, s12, $0xb8;
	[tilespmem:$0xB900] =	vst v63  }
0x32: {  	s17 =	simm.s32 $0x180;
	s19 =	simm.s32 $0x200;
	s7 =	rddreg [dreg:$0x6]  }
0x33: {  	[tilespmem:s18], [sflag:$0x4] =	stream.indirect.gather [hbm4b:s3+s12], $0x40, s17, s12, $0xb8;
	[tilespmem:$0xB900] =	vst v63  }
0x34: {  	s10 =	smov.u32 s0;
	s5 =	simm.s32 $0x0;
	s6 =	rddreg [dreg:$0x5]  }
0x35: {  	[tilespmem:s20], [sflag:$0x5] =	stream.indirect.gather [hbm4b:s3+s12], $0x40, s19, s12, $0xb8;
	[tilespmem:$0xB900] =	vst v63  }
.LBB2_2:
0x36: {  	_ =	swait.ge [sflag:s21], $0x2000  }
0x37: {  	p0 =	seq.s32 s5, $0x5A00;
	[sflag:s21] =	ssyncset.done $0x0  }
0x38: {  	s4 =	simm.s32 @!p0 $0x6;
	[sflag:s21] =	ssyncadd.s32 $0xFFFFE000  }
0x39: {  	[hbm4b:s10+s2] =	stream.linear.scatter [tilespmem:s13], [sflag:$0x6], $0x2000, $0x38;
	[tilespmem:$0xB900] =	vst v63  }
0x3a: {  	_ =	swait.ge @!p0 [sflag:s4], $0x2000  }
0x3b: {  	[sflag:s4] =	ssyncset.done @!p0 $0x0  }
0x3c: {  	[sflag:s4] =	ssyncadd.s32 @!p0 $0xFFFFE000;
	s4 =	sshra.s32 @!p0 s5, $0x2  }
0x3d: {  	s17 =	simm.s32 @!p0 $0x80;
	s15 =	simm.s32 @!p0 $0x1900;
	s19 =	sadd.s32 @!p0 $0x280, s4  }
0x3e: {  	[tilespmem:s15], [sflag:$0x1] =	stream.indirect.gather @!p0 [hbm4b:s3+s17], $0x40, s19, s17, $0xb8;
	[tilespmem:$0xB900] =	vst v63  }
0x3f: {  	_ =	swait.ge [sflag:s22], $0x2000  }
0x40: {  	[sflag:s22] =	ssyncset.done $0x0  }
0x41: {  	s15 =	simm.s32 @!p0 $0x7;
	[sflag:s22] =	ssyncadd.s32 $0xFFFFE000  }
0x42: {  	[hbm4b:s9+s2] =	stream.linear.scatter [tilespmem:s14], [sflag:$0x7], $0x2000, $0x38;
	[tilespmem:$0xB900] =	vst v63  }
0x43: {  	_ =	swait.ge @!p0 [sflag:s15], $0x2000  }
0x44: {  	[sflag:s15] =	ssyncset.done @!p0 $0x0  }
0x45: {  	s19 =	simm.s32 @!p0 $0x3900;
	[sflag:s15] =	ssyncadd.s32 @!p0 $0xFFFFE000;
	s15 =	sadd.s32 @!p0 $0x300, s4  }
0x46: {  	[tilespmem:s19], [sflag:$0x2] =	stream.indirect.gather @!p0 [hbm4b:s3+s17], $0x40, s15, s17, $0xb8;
	[tilespmem:$0xB900] =	vst v63  }
0x47: {  	_ =	swait.ge [sflag:s23], $0x2000  }
0x48: {  	[sflag:s23] =	ssyncset.done $0x0  }
0x49: {  	s15 =	simm.s32 @!p0 $0x8;
	[sflag:s23] =	ssyncadd.s32 $0xFFFFE000  }
0x4a: {  	[hbm4b:s8+s2] =	stream.linear.scatter [tilespmem:s16], [sflag:$0x8], $0x2000, $0x38;
	[tilespmem:$0xB900] =	vst v63  }
0x4b: {  	_ =	swait.ge @!p0 [sflag:s15], $0x2000  }
0x4c: {  	[sflag:s15] =	ssyncset.done @!p0 $0x0  }
0x4d: {  	s19 =	simm.s32 @!p0 $0x5900;
	[sflag:s15] =	ssyncadd.s32 @!p0 $0xFFFFE000;
	s15 =	sadd.s32 @!p0 $0x380, s4  }
0x4e: {  	[tilespmem:s19], [sflag:$0x3] =	stream.indirect.gather @!p0 [hbm4b:s3+s17], $0x40, s15, s17, $0xb8;
	[tilespmem:$0xB900] =	vst v63  }
0x4f: {  	_ =	swait.ge [sflag:s24], $0x2000  }
0x50: {  	[sflag:s24] =	ssyncset.done $0x0  }
0x51: {  	s15 =	simm.s32 @!p0 $0x9;
	[sflag:s24] =	ssyncadd.s32 $0xFFFFE000  }
0x52: {  	[hbm4b:s7+s2] =	stream.linear.scatter [tilespmem:s18], [sflag:$0x9], $0x2000, $0x38;
	[tilespmem:$0xB900] =	vst v63  }
0x53: {  	_ =	swait.ge @!p0 [sflag:s15], $0x2000  }
0x54: {  	[sflag:s15] =	ssyncset.done @!p0 $0x0  }
0x55: {  	s4 =	sadd.s32 @!p0 $0x400, s4;
	[sflag:s15] =	ssyncadd.s32 @!p0 $0xFFFFE000;
	s15 =	simm.s32 @!p0 $0x7900  }
0x56: {  	[tilespmem:s15], [sflag:$0x4] =	stream.indirect.gather @!p0 [hbm4b:s3+s17], $0x40, s4, s17, $0xb8;
	[tilespmem:$0xB900] =	vst v63  }
.Ltmp2:
0x57: {  	_ = 	snop;
	(pc) =	sbr.rel @p0 .LBB2_4-.Ltmp2, $4  }
0x58: {  	_ =	swait.ge [sflag:s25], $0x2000  }
0x59: {  	[sflag:s25] =	ssyncset.done $0x0  }
0x5a: {  	[sflag:s25] =	ssyncadd.s32 $0xFFFFE000  }
0x5b: {  	[hbm4b:s6+s2] =	stream.linear.scatter [tilespmem:s20], [sflag:$0xA], $0x2000, $0x38;
	[tilespmem:$0xB900] =	vst v63  }
.Ltmp3:
0x5c: {  	_ =	swait.ge [sflag:s31], $0x2000;
	s4 =	sshra.s32 s5, $0x2;
	(pc) =	sbr.rel .LBB2_2-.Ltmp3, $4  }
0x5d: {  	s5 =	sadd.s32 $0xA00, s5;
	s6 =	sadd.s32 $0x1400, s6;
	s7 =	sadd.s32 $0x1400, s7  }
0x5e: {  	s8 =	sadd.s32 $0x1400, s8;
	s9 =	sadd.s32 $0x1400, s9;
	[sflag:s31] =	ssyncset.done $0x0  }
0x5f: {  	s10 =	sadd.s32 $0x1400, s10;
	s4 =	sadd.s32 $0x480, s4;
	[sflag:s31] =	ssyncadd.s32 $0xFFFFE000  }
0x60: {  	[tilespmem:s20], [sflag:$0x5] =	stream.indirect.gather [hbm4b:s3+s12], $0x40, s4, s12, $0xb8;
	[tilespmem:$0xB900] =	vst v63  }
.LBB2_5:
0x61: {  	_ =	sfence.sel $0x180000  }
0x62: {  	[bflag:$0x0] =	sbarrier.arrive $0xFFFF  }
0x63: {  	_ =	strace $0x9000004A  }
0x64: {  	s0 =	stileid.u32;
	[bflag:$0x2] =	sbarrier.arrive $0xFFFF  }
0x65: {  	p0 =	sne.s32 s0, $0x0;
	s0 =	rddreg [dreg:$0x2]  }
0x66: {  	s0 =	sadd.s32 @!p0 $0x100000, s0  }
0x67: {  	[sflag:s0] =	ssyncadd.tile.s32 @!p0 $0x1;
	_ =	shalt  }
.Lfunc_end2:
_tile_overlayer_lowered:
.L_overlay_start_2:
0x68: {  	(tag) =	ssettag $0x2  }
0x69: {  	s0 =	rddreg [dreg:$0x0];
	s2 =	stileid.u32  }
0x6a: {  	s1 =	rddreg [dreg:$0x1];
	p0 =	sne.s32 s2, $0x0  }
0x6b: {  	s3 =	rddreg [dreg:$0x2];
	[bflag:$0x3] =	sbarrier.arrive $0xFFFF;
	s2 =	simm.s32 @!p0 $0x1C0B  }
0x6c: {  	[timem:s3], [sflag:s2] =	dma.local @!p0 [hbm:s0], s1  }
0x6d: {  	s0 =	simm.s32 @!p0 $0xB  }
0x6e: {  	_ =	swait.ge @!p0 [sflag:s0], s1  }
0x6f: {  	s1 =	ssub.s32 @!p0 $0x0, s1;
	[sflag:s0] =	ssyncset.done @!p0 $0x0  }
0x70: {  	[sflag:s0] =	ssyncadd.s32 @!p0 s1  }
0x71: {  	[bflag:$0x3] =	sbarrier.arrive $0xFFFF  }
0x72: {  	_ =	shalt  }

</sc_bundles>
